<compile_context>
chip_gen: v7x
topology: tpu7x:2x2x1
jax: 0.10.2.dev20260603
libtpu: 0.0.44.dev20260713+nightly
codegen_flags: <defaults>
</compile_context>

<pallas_src>
import dataclasses

import jax
import jax.numpy as jnp
from jax import lax
from jax.experimental import pallas as pl
from jax.experimental.pallas import tpu as pltpu
from jax.experimental.pallas import tpu_sc as plsc


_ROWS_PER_STEP = 2




def _tc_kernel(st_ref, a_ref, rmf_ref, rows_ref):
    NSP = a_ref.shape[2]
    T = st_ref.shape[1]
    lane = jax.lax.broadcasted_iota(jnp.int32, (1, NSP), 1)
    lane_ok = jnp.where((lane & 127) != 127, 1.0, 0.0)
    z1 = jnp.zeros((1, 1), jnp.float32)

    for i in range(_ROWS_PER_STEP):
        p = st_ref[i]
        P3 = p[:, 0:3]
        ax = a_ref[i, 0:1, :]
        ay = a_ref[i, 1:2, :]
        az = a_ref[i, 2:3, :]
        rmf = rmf_ref[i]

        bx = jnp.concatenate([ax[:, 1:], z1], axis=1)
        by = jnp.concatenate([ay[:, 1:], z1], axis=1)
        bz = jnp.concatenate([az[:, 1:], z1], axis=1)
        dx = bx - ax
        dy = by - ay
        dz = bz - az
        dd = jnp.maximum(dx * dx + dy * dy + dz * dz, 1e-12)
        hrdd = 0.5 / dd
        rr = ax * ax + ay * ay + az * az
        rmf_next = jnp.concatenate([rmf[:, 1:], z1], axis=1)
        m = rmf * rmf_next * lane_ok
        mbig = (1.0 - m) * 1e30

        A3 = jnp.concatenate([ax, ay, az], axis=0)
        ph = P3.astype(jnp.bfloat16)
        plo = (P3 - ph.astype(jnp.float32)).astype(jnp.bfloat16)
        ah = A3.astype(jnp.bfloat16)
        alo = (A3 - ah.astype(jnp.float32)).astype(jnp.bfloat16)
        dn = (((1,), (0,)), ((), ()))
        mm = lambda x, y: jax.lax.dot_general(
            x, y, dimension_numbers=dn,
            preferred_element_type=jnp.float32)
        pr = ((mm(ph, ah) + mm(plo, alo))
              + (mm(ph, alo) + mm(plo, ah)))
        G = rr - (pr + pr)
        Gnext = jnp.concatenate([G[:, 1:], jnp.zeros((T, 1), jnp.float32)],
                                axis=1)
        u = (G - Gnext) * hrdd + 0.5
        t = jnp.clip(u, 0.0, 1.0)
        s = t - u - u
        dist2 = G + dd * (t * s) + mbig

        best = jnp.argmin(dist2, axis=1).astype(jnp.int32)
        hv = jnp.any(m > 0.0)
        enc = jnp.where(hv, best, -1)
        rows_ref[i] = enc[:, None]


def _tc_run(st, rpT, rmf, off, rows):
    N, T, F = st.shape
    NSP = rpT.shape[2]
    R = _ROWS_PER_STEP
    base = off // R
    return pl.pallas_call(
        _tc_kernel,
        grid=(rows // R,),
        in_specs=[
            pl.BlockSpec((R, T, F), lambda n: (n + base, 0, 0)),
            pl.BlockSpec((R, 3, NSP), lambda n: (n + base, 0, 0)),
            pl.BlockSpec((R, 1, NSP), lambda n: (n + base, 0, 0)),
        ],
        out_specs=pl.BlockSpec((R, T, 1), lambda n: (n, 0, 0)),
        out_shape=jax.ShapeDtypeStruct((rows, T, 1), jnp.int32),
    )(st, rpT, rmf)




def _make_sc_kernel(T, F, off):
    L = 16

    def _sc_kernel(rp_ref, rows_ref, st_ref, out_ref,
                   table_v, idx_v, st_v, sem1, sem2, sem3):
        wid = lax.axis_index("s") * 2 + lax.axis_index("c")
        n = wid + off
        c1 = pltpu.async_copy(rp_ref.at[n], table_v, sem1)
        c2 = pltpu.async_copy(rows_ref.at[wid], idx_v, sem2)
        c3 = pltpu.async_copy(st_ref.at[n], st_v, sem3)
        c1.wait()
        c2.wait()
        c3.wait()
        for c in range(T // L):
            tv = lax.broadcasted_iota(jnp.int32, (L,), 0) + c * L
            zv = tv * 0
            ov = zv + 1
            wv = zv + 2
            enc = plsc.load_gather(idx_v, [tv, zv])
            hv = enc >= 0
            r = jnp.maximum(enc, 0)
            ax = plsc.load_gather(table_v, [zv, r])
            ay = plsc.load_gather(table_v, [ov, r])
            az = plsc.load_gather(table_v, [wv, r])
            bx = plsc.load_gather(table_v, [zv, r + 1])
            by = plsc.load_gather(table_v, [ov, r + 1])
            bz = plsc.load_gather(table_v, [wv, r + 1])
            px = plsc.load_gather(st_v, [tv, zv])
            py = plsc.load_gather(st_v, [tv, ov])
            pz = plsc.load_gather(st_v, [tv, wv])
            dx = bx - ax
            dy = by - ay
            dz = bz - az
            dd = jnp.maximum(dx * dx + dy * dy + dz * dz, 1e-12)
            tn = (px - ax) * dx + (py - ay) * dy + (pz - az) * dz
            t = jnp.clip(tn / dd, 0.0, 1.0)
            qx = ax + t * dx
            qy = ay + t * dy
            qz = az + t * dz
            plsc.store_scatter(st_v, [tv, zv], jnp.where(hv, qx, px))
            plsc.store_scatter(st_v, [tv, ov], jnp.where(hv, qy, py))
            plsc.store_scatter(st_v, [tv, wv], jnp.where(hv, qz, pz))
        pltpu.sync_copy(st_v, out_ref.at[wid])

    return _sc_kernel


def _sc_run(rpT, rows, st, off):
    NC = rows.shape[0]
    T = rows.shape[1]
    F = st.shape[2]
    NSP = rpT.shape[2]
    mesh = plsc.VectorSubcoreMesh(core_axis_name="c", subcore_axis_name="s",
                                  num_cores=2, num_subcores=16)
    cp = pltpu.CompilerParams()
    if "needs_layout_passes" in pltpu.CompilerParams.__dataclass_fields__:
        cp = dataclasses.replace(cp, needs_layout_passes=False)
    k = pl.kernel(
        _make_sc_kernel(T, F, off),
        out_type=jax.ShapeDtypeStruct((NC, T, F), jnp.float32),
        mesh=mesh,
        scratch_types=[
            pltpu.VMEM((3, NSP), jnp.float32),
            pltpu.VMEM((T, 1), jnp.int32),
            pltpu.VMEM((T, F), jnp.float32),
            pltpu.SemaphoreType.DMA,
            pltpu.SemaphoreType.DMA,
            pltpu.SemaphoreType.DMA,
        ],
        compiler_params=cp,
    )
    return k(rpT, rows, st)


@jax.jit
def _run(selected_traj, road_points, road_mask):
    N, T, F = selected_traj.shape
    _, NB, NP, D = road_points.shape
    NSP = NB * NP

    st = selected_traj.astype(jnp.float32)
    rpT = road_points.transpose(0, 3, 1, 2).reshape(N, D, NSP)
    rmf = road_mask.reshape(N, 1, NSP).astype(jnp.float32)

    half = N // 2
    rows0 = _tc_run(st, rpT, rmf, 0, half)
    rows1 = _tc_run(st, rpT, rmf, half, half)
    out0 = _sc_run(rpT, rows0, st, 0)
    out1 = _sc_run(rpT, rows1, st, half)
    return jnp.concatenate([out0, out1], axis=0)


def kernel(selected_traj, road_points, road_mask):
    return _run(selected_traj, road_points, road_mask)

# --- scband reference (transcript-rebuilt; emitter-appended) ---
"""Pipeline reference for scband-constraint-optimizer-74294344286523 (READ-ONLY COPY).

The authoritative reference and input builder live on the scoring server;
editing this copy changes nothing except your own understanding.
"""

import jax, jax.numpy as jnp
import numpy as np


def setup_inputs(seed: int = 0) -> dict:
    key = jax.random.key(seed)
    k1, k2 = jax.random.split(key)
    selected_traj = jax.random.normal(k1, (64, 64, 6), dtype=jnp.float32)
    road_points = jax.random.normal(k2, (64, 16, 128, 3), dtype=jnp.float32)
    road_mask = jnp.ones((64, 16, 128), dtype=bool)
    return {"selected_traj": selected_traj, "road_points": road_points, "road_mask": road_mask}


def _project_points_to_segments(pos, a, b, seg_mask):
    # pos: [N, T, 3]; a, b: [N, NS, 3]; seg_mask: [N, NS]
    N, T, _ = pos.shape
    NS = a.shape[1]
    p = pos[:, :, None, :]            # [N, T, 1, 3]
    a_ = a[:, None, :, :]             # [N, 1, NS, 3]
    b_ = b[:, None, :, :]
    d_ = b_ - a_
    dd = jnp.clip((d_ * d_).sum(axis=-1), 1e-12, None)          # [N, 1, NS]
    t_param = ((p - a_) * d_).sum(axis=-1) / dd                  # [N, T, NS]
    t_param = jnp.clip(t_param, 0.0, 1.0)
    q = a_ + t_param[..., None] * d_                             # [N, T, NS, 3]
    diff = p - q
    dist2 = (diff * diff).sum(axis=-1)                           # [N, T, NS]
    dist2 = jnp.where(seg_mask[:, None, :], dist2, jnp.inf)
    best_idx = jnp.argmin(dist2, axis=-1)                        # [N, T]
    q_best = jnp.take_along_axis(q, best_idx[..., None, None].astype(jnp.int32), axis=2).squeeze(2)  # [N, T, 3]
    has_valid = seg_mask.any(axis=1)                             # [N]
    return jnp.where(has_valid[:, None, None], q_best, pos)


def reference(selected_traj, road_points, road_mask):
    # ConstraintOptimizer(enable=True, module_type='road_projection').forward
    pos = selected_traj[..., 0:3]
    rest = selected_traj[..., 3:]
    rp = road_points  # [N, NB, NP, 3]
    rm = road_mask    # [N, NB, NP]
    N, NB, NP, D = rp.shape
    a = rp[:, :, :-1, :]
    b = rp[:, :, 1:, :]
    seg_mask = rm[:, :, :-1] & rm[:, :, 1:]
    NS_total = NB * (NP - 1)
    a = a.reshape(N, NS_total, D).astype(pos.dtype)
    b = b.reshape(N, NS_total, D).astype(pos.dtype)
    seg_mask = seg_mask.reshape(N, NS_total)
    pos_proj = _project_points_to_segments(pos, a, b, seg_mask)
    if rest.shape[-1] == 0:
        return pos_proj
    return jnp.concatenate([pos_proj, rest], axis=-1)

if __name__ == "__main__":
    import jax
    _d = setup_inputs()
    print(jax.jit(kernel)(*tuple(_d.values())))

</pallas_src>

<mosaic_0001>
#map = affine_map<(d0, d1) -> (0, 0, 0)>
module attributes {stable_mosaic.version = 14 : i64} {
  func.func @_sc_kernel(%arg0: i32, %arg1: i32, %arg2: memref<64x3x2048xf32, #tpu.memory_space<hbm>>, %arg3: memref<32x64x1xi32, #tpu.memory_space<hbm>>, %arg4: memref<64x64x6xf32, #tpu.memory_space<hbm>>, %arg5: memref<32x64x6xf32, #tpu.memory_space<hbm>>, %arg6: memref<3x2048xf32, #tpu.memory_space<vmem>>, %arg7: memref<64x1xi32, #tpu.memory_space<vmem>>, %arg8: memref<64x6xf32, #tpu.memory_space<vmem>>, %arg9: memref<!tpu.dma_semaphore, #tpu.memory_space<semaphore_mem>>, %arg10: memref<!tpu.dma_semaphore, #tpu.memory_space<semaphore_mem>>, %arg11: memref<!tpu.dma_semaphore, #tpu.memory_space<semaphore_mem>>) attributes {dimension_semantics = [#tpu.dimension_semantics<core_parallel>, #tpu.dimension_semantics<subcore_parallel>], iteration_bounds = array<i64: 2, 16>, scalar_prefetch = 0 : i64, scratch_operands = 6 : i64, tpu.core_type = #tpu.core_type<sc_vector_subcore>, window_params = [{transform_indices = #map}, {transform_indices = #map}, {transform_indices = #map}, {transform_indices = #map}]} {
    %mul3A = arith.constant 2 : i32
    %mul3A_0 = arith.muli %arg1, %mul3A : i32
    %add3A = arith.addi %mul3A_0, %arg0 : i32
    %add3A_1 = arith.constant 0 : i32
    %add3A_2 = arith.addi %add3A, %add3A_1 : i32
    %dma_start3A = arith.constant 0 : i32
    %dma_start3A_3 = arith.constant 0 : i32
    %dma_start3A_4 = tpu.memref_slice %arg2[%add3A_2, %dma_start3A, %dma_start3A_3] : memref<64x3x2048xf32, #tpu.memory_space<hbm>> -> memref<1x3x2048xf32, #tpu.memory_space<hbm>>
    %dma_start3A_5 = tpu.memref_squeeze %dma_start3A_4 : memref<1x3x2048xf32, #tpu.memory_space<hbm>> -> memref<3x2048xf32, #tpu.memory_space<hbm>>
    %dma_start3A_6 = arith.constant 0 : i32
    %dma_start3A_7 = arith.constant 0 : i32
    %dma_start3A_8 = tpu.memref_slice %arg2[%add3A_2, %dma_start3A_6, %dma_start3A_7] : memref<64x3x2048xf32, #tpu.memory_space<hbm>> -> memref<1x3x2048xf32, #tpu.memory_space<hbm>>
    %dma_start3A_9 = tpu.memref_squeeze %dma_start3A_8 : memref<1x3x2048xf32, #tpu.memory_space<hbm>> -> memref<3x2048xf32, #tpu.memory_space<hbm>>
    tpu.enqueue_dma source(%dma_start3A_9 : memref<3x2048xf32, #tpu.memory_space<hbm>>) target(%arg6 : memref<3x2048xf32, #tpu.memory_space<vmem>>) target_semaphore(%arg9 : memref<!tpu.dma_semaphore, #tpu.memory_space<semaphore_mem>>)
    %dma_start3A_10 = arith.constant 0 : i32
    %dma_start3A_11 = arith.constant 0 : i32
    %dma_start3A_12 = tpu.memref_slice %arg3[%add3A, %dma_start3A_10, %dma_start3A_11] : memref<32x64x1xi32, #tpu.memory_space<hbm>> -> memref<1x64x1xi32, #tpu.memory_space<hbm>>
    %dma_start3A_13 = tpu.memref_squeeze %dma_start3A_12 : memref<1x64x1xi32, #tpu.memory_space<hbm>> -> memref<64x1xi32, #tpu.memory_space<hbm>>
    %dma_start3A_14 = arith.constant 0 : i32
    %dma_start3A_15 = arith.constant 0 : i32
    %dma_start3A_16 = tpu.memref_slice %arg3[%add3A, %dma_start3A_14, %dma_start3A_15] : memref<32x64x1xi32, #tpu.memory_space<hbm>> -> memref<1x64x1xi32, #tpu.memory_space<hbm>>
    %dma_start3A_17 = tpu.memref_squeeze %dma_start3A_16 : memref<1x64x1xi32, #tpu.memory_space<hbm>> -> memref<64x1xi32, #tpu.memory_space<hbm>>
    tpu.enqueue_dma source(%dma_start3A_17 : memref<64x1xi32, #tpu.memory_space<hbm>>) target(%arg7 : memref<64x1xi32, #tpu.memory_space<vmem>>) target_semaphore(%arg10 : memref<!tpu.dma_semaphore, #tpu.memory_space<semaphore_mem>>)
    %dma_start3A_18 = arith.constant 0 : i32
    %dma_start3A_19 = arith.constant 0 : i32
    %dma_start3A_20 = tpu.memref_slice %arg4[%add3A_2, %dma_start3A_18, %dma_start3A_19] : memref<64x64x6xf32, #tpu.memory_space<hbm>> -> memref<1x64x6xf32, #tpu.memory_space<hbm>>
    %dma_start3A_21 = tpu.memref_squeeze %dma_start3A_20 : memref<1x64x6xf32, #tpu.memory_space<hbm>> -> memref<64x6xf32, #tpu.memory_space<hbm>>
    %dma_start3A_22 = arith.constant 0 : i32
    %dma_start3A_23 = arith.constant 0 : i32
    %dma_start3A_24 = tpu.memref_slice %arg4[%add3A_2, %dma_start3A_22, %dma_start3A_23] : memref<64x64x6xf32, #tpu.memory_space<hbm>> -> memref<1x64x6xf32, #tpu.memory_space<hbm>>
    %dma_start3A_25 = tpu.memref_squeeze %dma_start3A_24 : memref<1x64x6xf32, #tpu.memory_space<hbm>> -> memref<64x6xf32, #tpu.memory_space<hbm>>
    tpu.enqueue_dma source(%dma_start3A_25 : memref<64x6xf32, #tpu.memory_space<hbm>>) target(%arg8 : memref<64x6xf32, #tpu.memory_space<vmem>>) target_semaphore(%arg11 : memref<!tpu.dma_semaphore, #tpu.memory_space<semaphore_mem>>)
    %dma_wait3A = arith.constant 0 : i32
    %dma_wait3A_26 = arith.constant 0 : i32
    %dma_wait3A_27 = tpu.memref_slice %arg2[%add3A_2, %dma_wait3A, %dma_wait3A_26] : memref<64x3x2048xf32, #tpu.memory_space<hbm>> -> memref<1x3x2048xf32, #tpu.memory_space<hbm>>
    %dma_wait3A_28 = tpu.memref_squeeze %dma_wait3A_27 : memref<1x3x2048xf32, #tpu.memory_space<hbm>> -> memref<3x2048xf32, #tpu.memory_space<hbm>>
    %dma_wait3A_29 = arith.constant 0 : i32
    %dma_wait3A_30 = arith.constant 0 : i32
    %dma_wait3A_31 = tpu.memref_slice %arg2[%add3A_2, %dma_wait3A_29, %dma_wait3A_30] : memref<64x3x2048xf32, #tpu.memory_space<hbm>> -> memref<1x3x2048xf32, #tpu.memory_space<hbm>>
    %dma_wait3A_32 = tpu.memref_squeeze %dma_wait3A_31 : memref<1x3x2048xf32, #tpu.memory_space<hbm>> -> memref<3x2048xf32, #tpu.memory_space<hbm>>
    tpu.wait_dma2 semaphore(%arg9 : memref<!tpu.dma_semaphore, #tpu.memory_space<semaphore_mem>>) src(%dma_wait3A_32 : memref<3x2048xf32, #tpu.memory_space<hbm>>) dst(%arg6 : memref<3x2048xf32, #tpu.memory_space<vmem>>)
    %dma_wait3A_33 = arith.constant 0 : i32
    %dma_wait3A_34 = arith.constant 0 : i32
    %dma_wait3A_35 = tpu.memref_slice %arg3[%add3A, %dma_wait3A_33, %dma_wait3A_34] : memref<32x64x1xi32, #tpu.memory_space<hbm>> -> memref<1x64x1xi32, #tpu.memory_space<hbm>>
    %dma_wait3A_36 = tpu.memref_squeeze %dma_wait3A_35 : memref<1x64x1xi32, #tpu.memory_space<hbm>> -> memref<64x1xi32, #tpu.memory_space<hbm>>
    %dma_wait3A_37 = arith.constant 0 : i32
    %dma_wait3A_38 = arith.constant 0 : i32
    %dma_wait3A_39 = tpu.memref_slice %arg3[%add3A, %dma_wait3A_37, %dma_wait3A_38] : memref<32x64x1xi32, #tpu.memory_space<hbm>> -> memref<1x64x1xi32, #tpu.memory_space<hbm>>
    %dma_wait3A_40 = tpu.memref_squeeze %dma_wait3A_39 : memref<1x64x1xi32, #tpu.memory_space<hbm>> -> memref<64x1xi32, #tpu.memory_space<hbm>>
    tpu.wait_dma2 semaphore(%arg10 : memref<!tpu.dma_semaphore, #tpu.memory_space<semaphore_mem>>) src(%dma_wait3A_40 : memref<64x1xi32, #tpu.memory_space<hbm>>) dst(%arg7 : memref<64x1xi32, #tpu.memory_space<vmem>>)
    %dma_wait3A_41 = arith.constant 0 : i32
    %dma_wait3A_42 = arith.constant 0 : i32
    %dma_wait3A_43 = tpu.memref_slice %arg4[%add3A_2, %dma_wait3A_41, %dma_wait3A_42] : memref<64x64x6xf32, #tpu.memory_space<hbm>> -> memref<1x64x6xf32, #tpu.memory_space<hbm>>
    %dma_wait3A_44 = tpu.memref_squeeze %dma_wait3A_43 : memref<1x64x6xf32, #tpu.memory_space<hbm>> -> memref<64x6xf32, #tpu.memory_space<hbm>>
    %dma_wait3A_45 = arith.constant 0 : i32
    %dma_wait3A_46 = arith.constant 0 : i32
    %dma_wait3A_47 = tpu.memref_slice %arg4[%add3A_2, %dma_wait3A_45, %dma_wait3A_46] : memref<64x64x6xf32, #tpu.memory_space<hbm>> -> memref<1x64x6xf32, #tpu.memory_space<hbm>>
    %dma_wait3A_48 = tpu.memref_squeeze %dma_wait3A_47 : memref<1x64x6xf32, #tpu.memory_space<hbm>> -> memref<64x6xf32, #tpu.memory_space<hbm>>
    tpu.wait_dma2 semaphore(%arg11 : memref<!tpu.dma_semaphore, #tpu.memory_space<semaphore_mem>>) src(%dma_wait3A_48 : memref<64x6xf32, #tpu.memory_space<hbm>>) dst(%arg8 : memref<64x6xf32, #tpu.memory_space<vmem>>)
    %iota3A = tpu.iota {dimensions = array<i32: 0>} : vector<16xi32>
    %add3A_49 = arith.constant 0 : i32
    %add3A_50 = vector.broadcast %add3A_49 : i32 to vector<16xi32>
    %add3A_51 = arith.addi %iota3A, %add3A_50 : vector<16xi32>
    %mul3A_52 = arith.constant 0 : i32
    %mul3A_53 = vector.broadcast %mul3A_52 : i32 to vector<16xi32>
    %mul3A_54 = arith.muli %add3A_51, %mul3A_53 : vector<16xi32>
    %add3A_55 = arith.constant 1 : i32
    %add3A_56 = vector.broadcast %add3A_55 : i32 to vector<16xi32>
    %add3A_57 = arith.addi %mul3A_54, %add3A_56 : vector<16xi32>
    %add3A_58 = arith.constant 2 : i32
    %add3A_59 = vector.broadcast %add3A_58 : i32 to vector<16xi32>
    %add3A_60 = arith.addi %mul3A_54, %add3A_59 : vector<16xi32>
    %gather3A = tpu.vector_load_idx %arg7[%add3A_51, %mul3A_54] : memref<64x1xi32, #tpu.memory_space<vmem>>[vector<16xi32>, vector<16xi32>], vector<16xi32>,
    %ge3A = arith.constant 0 : i32
    %ge3A_61 = vector.broadcast %ge3A : i32 to vector<16xi32>
    %ge3A_62 = arith.cmpi sge, %gather3A, %ge3A_61 : vector<16xi32>
    %max3A = arith.constant 0 : i32
    %max3A_63 = vector.broadcast %max3A : i32 to vector<16xi32>
    %max3A_64 = arith.maxsi %gather3A, %max3A_63 : vector<16xi32>
    %gather3A_65 = tpu.vector_load_idx %arg6[%mul3A_54, %max3A_64] : memref<3x2048xf32, #tpu.memory_space<vmem>>[vector<16xi32>, vector<16xi32>], vector<16xf32>,
    %gather3A_66 = tpu.vector_load_idx %arg6[%add3A_57, %max3A_64] : memref<3x2048xf32, #tpu.memory_space<vmem>>[vector<16xi32>, vector<16xi32>], vector<16xf32>,
    %gather3A_67 = tpu.vector_load_idx %arg6[%add3A_60, %max3A_64] : memref<3x2048xf32, #tpu.memory_space<vmem>>[vector<16xi32>, vector<16xi32>], vector<16xf32>,
    %add3A_68 = arith.constant 1 : i32
    %add3A_69 = vector.broadcast %add3A_68 : i32 to vector<16xi32>
    %add3A_70 = arith.addi %max3A_64, %add3A_69 : vector<16xi32>
    %gather3A_71 = tpu.vector_load_idx %arg6[%mul3A_54, %add3A_70] : memref<3x2048xf32, #tpu.memory_space<vmem>>[vector<16xi32>, vector<16xi32>], vector<16xf32>,
    %add3A_72 = arith.constant 1 : i32
    %add3A_73 = vector.broadcast %add3A_72 : i32 to vector<16xi32>
    %add3A_74 = arith.addi %max3A_64, %add3A_73 : vector<16xi32>
    %gather3A_75 = tpu.vector_load_idx %arg6[%add3A_57, %add3A_74] : memref<3x2048xf32, #tpu.memory_space<vmem>>[vector<16xi32>, vector<16xi32>], vector<16xf32>,
    %add3A_76 = arith.constant 1 : i32
    %add3A_77 = vector.broadcast %add3A_76 : i32 to vector<16xi32>
    %add3A_78 = arith.addi %max3A_64, %add3A_77 : vector<16xi32>
    %gather3A_79 = tpu.vector_load_idx %arg6[%add3A_60, %add3A_78] : memref<3x2048xf32, #tpu.memory_space<vmem>>[vector<16xi32>, vector<16xi32>], vector<16xf32>,
    %gather3A_80 = tpu.vector_load_idx %arg8[%add3A_51, %mul3A_54] : memref<64x6xf32, #tpu.memory_space<vmem>>[vector<16xi32>, vector<16xi32>], vector<16xf32>,
    %gather3A_81 = tpu.vector_load_idx %arg8[%add3A_51, %add3A_57] : memref<64x6xf32, #tpu.memory_space<vmem>>[vector<16xi32>, vector<16xi32>], vector<16xf32>,
    %gather3A_82 = tpu.vector_load_idx %arg8[%add3A_51, %add3A_60] : memref<64x6xf32, #tpu.memory_space<vmem>>[vector<16xi32>, vector<16xi32>], vector<16xf32>,
    %sub3A = arith.subf %gather3A_71, %gather3A_65 : vector<16xf32>
    %sub3A_83 = arith.subf %gather3A_75, %gather3A_66 : vector<16xf32>
    %sub3A_84 = arith.subf %gather3A_79, %gather3A_67 : vector<16xf32>
    %mul3A_85 = arith.mulf %sub3A, %sub3A : vector<16xf32>
    %mul3A_86 = arith.mulf %sub3A_83, %sub3A_83 : vector<16xf32>
    %add3A_87 = arith.addf %mul3A_85, %mul3A_86 : vector<16xf32>
    %mul3A_88 = arith.mulf %sub3A_84, %sub3A_84 : vector<16xf32>
    %add3A_89 = arith.addf %add3A_87, %mul3A_88 : vector<16xf32>
    %max3A_90 = arith.constant 9.99999996E-13 : f32
    %max3A_91 = vector.broadcast %max3A_90 : f32 to vector<16xf32>
    %max3A_92 = arith.maximumf %add3A_89, %max3A_91 : vector<16xf32>
    %sub3A_93 = arith.subf %gather3A_80, %gather3A_65 : vector<16xf32>
    %mul3A_94 = arith.mulf %sub3A_93, %sub3A : vector<16xf32>
    %sub3A_95 = arith.subf %gather3A_81, %gather3A_66 : vector<16xf32>
    %mul3A_96 = arith.mulf %sub3A_95, %sub3A_83 : vector<16xf32>
    %add3A_97 = arith.addf %mul3A_94, %mul3A_96 : vector<16xf32>
    %sub3A_98 = arith.subf %gather3A_82, %gather3A_67 : vector<16xf32>
    %mul3A_99 = arith.mulf %sub3A_98, %sub3A_84 : vector<16xf32>
    %add3A_100 = arith.addf %add3A_97, %mul3A_99 : vector<16xf32>
    %div3A = arith.divf %add3A_100, %max3A_92 : vector<16xf32>
    %jit3A = arith.constant 0.000000e+00 : f32
    %jit3A_101 = arith.constant 1.000000e+00 : f32
    %max3A_102 = vector.broadcast %jit3A : f32 to vector<16xf32>
    %max3A_103 = arith.maximumf %max3A_102, %div3A : vector<16xf32>
    %min3A = vector.broadcast %jit3A_101 : f32 to vector<16xf32>
    %min3A_104 = arith.minimumf %min3A, %max3A_103 : vector<16xf32>
    %mul3A_105 = arith.mulf %min3A_104, %sub3A : vector<16xf32>
    %add3A_106 = arith.addf %gather3A_65, %mul3A_105 : vector<16xf32>
    %mul3A_107 = arith.mulf %min3A_104, %sub3A_83 : vector<16xf32>
    %add3A_108 = arith.addf %gather3A_66, %mul3A_107 : vector<16xf32>
    %mul3A_109 = arith.mulf %min3A_104, %sub3A_84 : vector<16xf32>
    %add3A_110 = arith.addf %gather3A_67, %mul3A_109 : vector<16xf32>
    %select_n3A = arith.select %ge3A_62, %add3A_106, %gather3A_80 : vector<16xi1>, vector<16xf32>
    tpu.vector_store_idx %arg8[%add3A_51, %mul3A_54], %select_n3A : memref<64x6xf32, #tpu.memory_space<vmem>>[vector<16xi32>, vector<16xi32>], vector<16xf32>,
    %select_n3A_111 = arith.select %ge3A_62, %add3A_108, %gather3A_81 : vector<16xi1>, vector<16xf32>
    tpu.vector_store_idx %arg8[%add3A_51, %add3A_57], %select_n3A_111 : memref<64x6xf32, #tpu.memory_space<vmem>>[vector<16xi32>, vector<16xi32>], vector<16xf32>,
    %select_n3A_112 = arith.select %ge3A_62, %add3A_110, %gather3A_82 : vector<16xi1>, vector<16xf32>
    tpu.vector_store_idx %arg8[%add3A_51, %add3A_60], %select_n3A_112 : memref<64x6xf32, #tpu.memory_space<vmem>>[vector<16xi32>, vector<16xi32>], vector<16xf32>,
    %iota3A_113 = tpu.iota {dimensions = array<i32: 0>} : vector<16xi32>
    %add3A_114 = arith.constant 16 : i32
    %add3A_115 = vector.broadcast %add3A_114 : i32 to vector<16xi32>
    %add3A_116 = arith.addi %iota3A_113, %add3A_115 : vector<16xi32>
    %mul3A_117 = arith.constant 0 : i32
    %mul3A_118 = vector.broadcast %mul3A_117 : i32 to vector<16xi32>
    %mul3A_119 = arith.muli %add3A_116, %mul3A_118 : vector<16xi32>
    %add3A_120 = arith.constant 1 : i32
    %add3A_121 = vector.broadcast %add3A_120 : i32 to vector<16xi32>
    %add3A_122 = arith.addi %mul3A_119, %add3A_121 : vector<16xi32>
    %add3A_123 = arith.constant 2 : i32
    %add3A_124 = vector.broadcast %add3A_123 : i32 to vector<16xi32>
    %add3A_125 = arith.addi %mul3A_119, %add3A_124 : vector<16xi32>
    %gather3A_126 = tpu.vector_load_idx %arg7[%add3A_116, %mul3A_119] : memref<64x1xi32, #tpu.memory_space<vmem>>[vector<16xi32>, vector<16xi32>], vector<16xi32>,
    %ge3A_127 = arith.constant 0 : i32
    %ge3A_128 = vector.broadcast %ge3A_127 : i32 to vector<16xi32>
    %ge3A_129 = arith.cmpi sge, %gather3A_126, %ge3A_128 : vector<16xi32>
    %max3A_130 = arith.constant 0 : i32
    %max3A_131 = vector.broadcast %max3A_130 : i32 to vector<16xi32>
    %max3A_132 = arith.maxsi %gather3A_126, %max3A_131 : vector<16xi32>
    %gather3A_133 = tpu.vector_load_idx %arg6[%mul3A_119, %max3A_132] : memref<3x2048xf32, #tpu.memory_space<vmem>>[vector<16xi32>, vector<16xi32>], vector<16xf32>,
    %gather3A_134 = tpu.vector_load_idx %arg6[%add3A_122, %max3A_132] : memref<3x2048xf32, #tpu.memory_space<vmem>>[vector<16xi32>, vector<16xi32>], vector<16xf32>,
    %gather3A_135 = tpu.vector_load_idx %arg6[%add3A_125, %max3A_132] : memref<3x2048xf32, #tpu.memory_space<vmem>>[vector<16xi32>, vector<16xi32>], vector<16xf32>,
    %add3A_136 = arith.constant 1 : i32
    %add3A_137 = vector.broadcast %add3A_136 : i32 to vector<16xi32>
    %add3A_138 = arith.addi %max3A_132, %add3A_137 : vector<16xi32>
    %gather3A_139 = tpu.vector_load_idx %arg6[%mul3A_119, %add3A_138] : memref<3x2048xf32, #tpu.memory_space<vmem>>[vector<16xi32>, vector<16xi32>], vector<16xf32>,
    %add3A_140 = arith.constant 1 : i32
    %add3A_141 = vector.broadcast %add3A_140 : i32 to vector<16xi32>
    %add3A_142 = arith.addi %max3A_132, %add3A_141 : vector<16xi32>
    %gather3A_143 = tpu.vector_load_idx %arg6[%add3A_122, %add3A_142] : memref<3x2048xf32, #tpu.memory_space<vmem>>[vector<16xi32>, vector<16xi32>], vector<16xf32>,
    %add3A_144 = arith.constant 1 : i32
    %add3A_145 = vector.broadcast %add3A_144 : i32 to vector<16xi32>
    %add3A_146 = arith.addi %max3A_132, %add3A_145 : vector<16xi32>
    %gather3A_147 = tpu.vector_load_idx %arg6[%add3A_125, %add3A_146] : memref<3x2048xf32, #tpu.memory_space<vmem>>[vector<16xi32>, vector<16xi32>], vector<16xf32>,
    %gather3A_148 = tpu.vector_load_idx %arg8[%add3A_116, %mul3A_119] : memref<64x6xf32, #tpu.memory_space<vmem>>[vector<16xi32>, vector<16xi32>], vector<16xf32>,
    %gather3A_149 = tpu.vector_load_idx %arg8[%add3A_116, %add3A_122] : memref<64x6xf32, #tpu.memory_space<vmem>>[vector<16xi32>, vector<16xi32>], vector<16xf32>,
    %gather3A_150 = tpu.vector_load_idx %arg8[%add3A_116, %add3A_125] : memref<64x6xf32, #tpu.memory_space<vmem>>[vector<16xi32>, vector<16xi32>], vector<16xf32>,
    %sub3A_151 = arith.subf %gather3A_139, %gather3A_133 : vector<16xf32>
    %sub3A_152 = arith.subf %gather3A_143, %gather3A_134 : vector<16xf32>
    %sub3A_153 = arith.subf %gather3A_147, %gather3A_135 : vector<16xf32>
    %mul3A_154 = arith.mulf %sub3A_151, %sub3A_151 : vector<16xf32>
    %mul3A_155 = arith.mulf %sub3A_152, %sub3A_152 : vector<16xf32>
    %add3A_156 = arith.addf %mul3A_154, %mul3A_155 : vector<16xf32>
    %mul3A_157 = arith.mulf %sub3A_153, %sub3A_153 : vector<16xf32>
    %add3A_158 = arith.addf %add3A_156, %mul3A_157 : vector<16xf32>
    %max3A_159 = arith.constant 9.99999996E-13 : f32
    %max3A_160 = vector.broadcast %max3A_159 : f32 to vector<16xf32>
    %max3A_161 = arith.maximumf %add3A_158, %max3A_160 : vector<16xf32>
    %sub3A_162 = arith.subf %gather3A_148, %gather3A_133 : vector<16xf32>
    %mul3A_163 = arith.mulf %sub3A_162, %sub3A_151 : vector<16xf32>
    %sub3A_164 = arith.subf %gather3A_149, %gather3A_134 : vector<16xf32>
    %mul3A_165 = arith.mulf %sub3A_164, %sub3A_152 : vector<16xf32>
    %add3A_166 = arith.addf %mul3A_163, %mul3A_165 : vector<16xf32>
    %sub3A_167 = arith.subf %gather3A_150, %gather3A_135 : vector<16xf32>
    %mul3A_168 = arith.mulf %sub3A_167, %sub3A_153 : vector<16xf32>
    %add3A_169 = arith.addf %add3A_166, %mul3A_168 : vector<16xf32>
    %div3A_170 = arith.divf %add3A_169, %max3A_161 : vector<16xf32>
    %jit3A_171 = arith.constant 0.000000e+00 : f32
    %jit3A_172 = arith.constant 1.000000e+00 : f32
    %max3A_173 = vector.broadcast %jit3A_171 : f32 to vector<16xf32>
    %max3A_174 = arith.maximumf %max3A_173, %div3A_170 : vector<16xf32>
    %min3A_175 = vector.broadcast %jit3A_172 : f32 to vector<16xf32>
    %min3A_176 = arith.minimumf %min3A_175, %max3A_174 : vector<16xf32>
    %mul3A_177 = arith.mulf %min3A_176, %sub3A_151 : vector<16xf32>
    %add3A_178 = arith.addf %gather3A_133, %mul3A_177 : vector<16xf32>
    %mul3A_179 = arith.mulf %min3A_176, %sub3A_152 : vector<16xf32>
    %add3A_180 = arith.addf %gather3A_134, %mul3A_179 : vector<16xf32>
    %mul3A_181 = arith.mulf %min3A_176, %sub3A_153 : vector<16xf32>
    %add3A_182 = arith.addf %gather3A_135, %mul3A_181 : vector<16xf32>
    %select_n3A_183 = arith.select %ge3A_129, %add3A_178, %gather3A_148 : vector<16xi1>, vector<16xf32>
    tpu.vector_store_idx %arg8[%add3A_116, %mul3A_119], %select_n3A_183 : memref<64x6xf32, #tpu.memory_space<vmem>>[vector<16xi32>, vector<16xi32>], vector<16xf32>,
    %select_n3A_184 = arith.select %ge3A_129, %add3A_180, %gather3A_149 : vector<16xi1>, vector<16xf32>
    tpu.vector_store_idx %arg8[%add3A_116, %add3A_122], %select_n3A_184 : memref<64x6xf32, #tpu.memory_space<vmem>>[vector<16xi32>, vector<16xi32>], vector<16xf32>,
    %select_n3A_185 = arith.select %ge3A_129, %add3A_182, %gather3A_150 : vector<16xi1>, vector<16xf32>
    tpu.vector_store_idx %arg8[%add3A_116, %add3A_125], %select_n3A_185 : memref<64x6xf32, #tpu.memory_space<vmem>>[vector<16xi32>, vector<16xi32>], vector<16xf32>,
    %iota3A_186 = tpu.iota {dimensions = array<i32: 0>} : vector<16xi32>
    %add3A_187 = arith.constant 32 : i32
    %add3A_188 = vector.broadcast %add3A_187 : i32 to vector<16xi32>
    %add3A_189 = arith.addi %iota3A_186, %add3A_188 : vector<16xi32>
    %mul3A_190 = arith.constant 0 : i32
    %mul3A_191 = vector.broadcast %mul3A_190 : i32 to vector<16xi32>
    %mul3A_192 = arith.muli %add3A_189, %mul3A_191 : vector<16xi32>
    %add3A_193 = arith.constant 1 : i32
    %add3A_194 = vector.broadcast %add3A_193 : i32 to vector<16xi32>
    %add3A_195 = arith.addi %mul3A_192, %add3A_194 : vector<16xi32>
    %add3A_196 = arith.constant 2 : i32
    %add3A_197 = vector.broadcast %add3A_196 : i32 to vector<16xi32>
    %add3A_198 = arith.addi %mul3A_192, %add3A_197 : vector<16xi32>
    %gather3A_199 = tpu.vector_load_idx %arg7[%add3A_189, %mul3A_192] : memref<64x1xi32, #tpu.memory_space<vmem>>[vector<16xi32>, vector<16xi32>], vector<16xi32>,
    %ge3A_200 = arith.constant 0 : i32
    %ge3A_201 = vector.broadcast %ge3A_200 : i32 to vector<16xi32>
    %ge3A_202 = arith.cmpi sge, %gather3A_199, %ge3A_201 : vector<16xi32>
    %max3A_203 = arith.constant 0 : i32
    %max3A_204 = vector.broadcast %max3A_203 : i32 to vector<16xi32>
    %max3A_205 = arith.maxsi %gather3A_199, %max3A_204 : vector<16xi32>
    %gather3A_206 = tpu.vector_load_idx %arg6[%mul3A_192, %max3A_205] : memref<3x2048xf32, #tpu.memory_space<vmem>>[vector<16xi32>, vector<16xi32>], vector<16xf32>,
    %gather3A_207 = tpu.vector_load_idx %arg6[%add3A_195, %max3A_205] : memref<3x2048xf32, #tpu.memory_space<vmem>>[vector<16xi32>, vector<16xi32>], vector<16xf32>,
    %gather3A_208 = tpu.vector_load_idx %arg6[%add3A_198, %max3A_205] : memref<3x2048xf32, #tpu.memory_space<vmem>>[vector<16xi32>, vector<16xi32>], vector<16xf32>,
    %add3A_209 = arith.constant 1 : i32
    %add3A_210 = vector.broadcast %add3A_209 : i32 to vector<16xi32>
    %add3A_211 = arith.addi %max3A_205, %add3A_210 : vector<16xi32>
    %gather3A_212 = tpu.vector_load_idx %arg6[%mul3A_192, %add3A_211] : memref<3x2048xf32, #tpu.memory_space<vmem>>[vector<16xi32>, vector<16xi32>], vector<16xf32>,
    %add3A_213 = arith.constant 1 : i32
    %add3A_214 = vector.broadcast %add3A_213 : i32 to vector<16xi32>
    %add3A_215 = arith.addi %max3A_205, %add3A_214 : vector<16xi32>
    %gather3A_216 = tpu.vector_load_idx %arg6[%add3A_195, %add3A_215] : memref<3x2048xf32, #tpu.memory_space<vmem>>[vector<16xi32>, vector<16xi32>], vector<16xf32>,
    %add3A_217 = arith.constant 1 : i32
    %add3A_218 = vector.broadcast %add3A_217 : i32 to vector<16xi32>
    %add3A_219 = arith.addi %max3A_205, %add3A_218 : vector<16xi32>
    %gather3A_220 = tpu.vector_load_idx %arg6[%add3A_198, %add3A_219] : memref<3x2048xf32, #tpu.memory_space<vmem>>[vector<16xi32>, vector<16xi32>], vector<16xf32>,
    %gather3A_221 = tpu.vector_load_idx %arg8[%add3A_189, %mul3A_192] : memref<64x6xf32, #tpu.memory_space<vmem>>[vector<16xi32>, vector<16xi32>], vector<16xf32>,
    %gather3A_222 = tpu.vector_load_idx %arg8[%add3A_189, %add3A_195] : memref<64x6xf32, #tpu.memory_space<vmem>>[vector<16xi32>, vector<16xi32>], vector<16xf32>,
    %gather3A_223 = tpu.vector_load_idx %arg8[%add3A_189, %add3A_198] : memref<64x6xf32, #tpu.memory_space<vmem>>[vector<16xi32>, vector<16xi32>], vector<16xf32>,
    %sub3A_224 = arith.subf %gather3A_212, %gather3A_206 : vector<16xf32>
    %sub3A_225 = arith.subf %gather3A_216, %gather3A_207 : vector<16xf32>
    %sub3A_226 = arith.subf %gather3A_220, %gather3A_208 : vector<16xf32>
    %mul3A_227 = arith.mulf %sub3A_224, %sub3A_224 : vector<16xf32>
    %mul3A_228 = arith.mulf %sub3A_225, %sub3A_225 : vector<16xf32>
    %add3A_229 = arith.addf %mul3A_227, %mul3A_228 : vector<16xf32>
    %mul3A_230 = arith.mulf %sub3A_226, %sub3A_226 : vector<16xf32>
    %add3A_231 = arith.addf %add3A_229, %mul3A_230 : vector<16xf32>
    %max3A_232 = arith.constant 9.99999996E-13 : f32
    %max3A_233 = vector.broadcast %max3A_232 : f32 to vector<16xf32>
    %max3A_234 = arith.maximumf %add3A_231, %max3A_233 : vector<16xf32>
    %sub3A_235 = arith.subf %gather3A_221, %gather3A_206 : vector<16xf32>
    %mul3A_236 = arith.mulf %sub3A_235, %sub3A_224 : vector<16xf32>
    %sub3A_237 = arith.subf %gather3A_222, %gather3A_207 : vector<16xf32>
    %mul3A_238 = arith.mulf %sub3A_237, %sub3A_225 : vector<16xf32>
    %add3A_239 = arith.addf %mul3A_236, %mul3A_238 : vector<16xf32>
    %sub3A_240 = arith.subf %gather3A_223, %gather3A_208 : vector<16xf32>
    %mul3A_241 = arith.mulf %sub3A_240, %sub3A_226 : vector<16xf32>
    %add3A_242 = arith.addf %add3A_239, %mul3A_241 : vector<16xf32>
    %div3A_243 = arith.divf %add3A_242, %max3A_234 : vector<16xf32>
    %jit3A_244 = arith.constant 0.000000e+00 : f32
    %jit3A_245 = arith.constant 1.000000e+00 : f32
    %max3A_246 = vector.broadcast %jit3A_244 : f32 to vector<16xf32>
    %max3A_247 = arith.maximumf %max3A_246, %div3A_243 : vector<16xf32>
    %min3A_248 = vector.broadcast %jit3A_245 : f32 to vector<16xf32>
    %min3A_249 = arith.minimumf %min3A_248, %max3A_247 : vector<16xf32>
    %mul3A_250 = arith.mulf %min3A_249, %sub3A_224 : vector<16xf32>
    %add3A_251 = arith.addf %gather3A_206, %mul3A_250 : vector<16xf32>
    %mul3A_252 = arith.mulf %min3A_249, %sub3A_225 : vector<16xf32>
    %add3A_253 = arith.addf %gather3A_207, %mul3A_252 : vector<16xf32>
    %mul3A_254 = arith.mulf %min3A_249, %sub3A_226 : vector<16xf32>
    %add3A_255 = arith.addf %gather3A_208, %mul3A_254 : vector<16xf32>
    %select_n3A_256 = arith.select %ge3A_202, %add3A_251, %gather3A_221 : vector<16xi1>, vector<16xf32>
    tpu.vector_store_idx %arg8[%add3A_189, %mul3A_192], %select_n3A_256 : memref<64x6xf32, #tpu.memory_space<vmem>>[vector<16xi32>, vector<16xi32>], vector<16xf32>,
    %select_n3A_257 = arith.select %ge3A_202, %add3A_253, %gather3A_222 : vector<16xi1>, vector<16xf32>
    tpu.vector_store_idx %arg8[%add3A_189, %add3A_195], %select_n3A_257 : memref<64x6xf32, #tpu.memory_space<vmem>>[vector<16xi32>, vector<16xi32>], vector<16xf32>,
    %select_n3A_258 = arith.select %ge3A_202, %add3A_255, %gather3A_223 : vector<16xi1>, vector<16xf32>
    tpu.vector_store_idx %arg8[%add3A_189, %add3A_198], %select_n3A_258 : memref<64x6xf32, #tpu.memory_space<vmem>>[vector<16xi32>, vector<16xi32>], vector<16xf32>,
    %iota3A_259 = tpu.iota {dimensions = array<i32: 0>} : vector<16xi32>
    %add3A_260 = arith.constant 48 : i32
    %add3A_261 = vector.broadcast %add3A_260 : i32 to vector<16xi32>
    %add3A_262 = arith.addi %iota3A_259, %add3A_261 : vector<16xi32>
    %mul3A_263 = arith.constant 0 : i32
    %mul3A_264 = vector.broadcast %mul3A_263 : i32 to vector<16xi32>
    %mul3A_265 = arith.muli %add3A_262, %mul3A_264 : vector<16xi32>
    %add3A_266 = arith.constant 1 : i32
    %add3A_267 = vector.broadcast %add3A_266 : i32 to vector<16xi32>
    %add3A_268 = arith.addi %mul3A_265, %add3A_267 : vector<16xi32>
    %add3A_269 = arith.constant 2 : i32
    %add3A_270 = vector.broadcast %add3A_269 : i32 to vector<16xi32>
    %add3A_271 = arith.addi %mul3A_265, %add3A_270 : vector<16xi32>
    %gather3A_272 = tpu.vector_load_idx %arg7[%add3A_262, %mul3A_265] : memref<64x1xi32, #tpu.memory_space<vmem>>[vector<16xi32>, vector<16xi32>], vector<16xi32>,
    %ge3A_273 = arith.constant 0 : i32
    %ge3A_274 = vector.broadcast %ge3A_273 : i32 to vector<16xi32>
    %ge3A_275 = arith.cmpi sge, %gather3A_272, %ge3A_274 : vector<16xi32>
    %max3A_276 = arith.constant 0 : i32
    %max3A_277 = vector.broadcast %max3A_276 : i32 to vector<16xi32>
    %max3A_278 = arith.maxsi %gather3A_272, %max3A_277 : vector<16xi32>
    %gather3A_279 = tpu.vector_load_idx %arg6[%mul3A_265, %max3A_278] : memref<3x2048xf32, #tpu.memory_space<vmem>>[vector<16xi32>, vector<16xi32>], vector<16xf32>,
    %gather3A_280 = tpu.vector_load_idx %arg6[%add3A_268, %max3A_278] : memref<3x2048xf32, #tpu.memory_space<vmem>>[vector<16xi32>, vector<16xi32>], vector<16xf32>,
    %gather3A_281 = tpu.vector_load_idx %arg6[%add3A_271, %max3A_278] : memref<3x2048xf32, #tpu.memory_space<vmem>>[vector<16xi32>, vector<16xi32>], vector<16xf32>,
    %add3A_282 = arith.constant 1 : i32
    %add3A_283 = vector.broadcast %add3A_282 : i32 to vector<16xi32>
    %add3A_284 = arith.addi %max3A_278, %add3A_283 : vector<16xi32>
    %gather3A_285 = tpu.vector_load_idx %arg6[%mul3A_265, %add3A_284] : memref<3x2048xf32, #tpu.memory_space<vmem>>[vector<16xi32>, vector<16xi32>], vector<16xf32>,
    %add3A_286 = arith.constant 1 : i32
    %add3A_287 = vector.broadcast %add3A_286 : i32 to vector<16xi32>
    %add3A_288 = arith.addi %max3A_278, %add3A_287 : vector<16xi32>
    %gather3A_289 = tpu.vector_load_idx %arg6[%add3A_268, %add3A_288] : memref<3x2048xf32, #tpu.memory_space<vmem>>[vector<16xi32>, vector<16xi32>], vector<16xf32>,
    %add3A_290 = arith.constant 1 : i32
    %add3A_291 = vector.broadcast %add3A_290 : i32 to vector<16xi32>
    %add3A_292 = arith.addi %max3A_278, %add3A_291 : vector<16xi32>
    %gather3A_293 = tpu.vector_load_idx %arg6[%add3A_271, %add3A_292] : memref<3x2048xf32, #tpu.memory_space<vmem>>[vector<16xi32>, vector<16xi32>], vector<16xf32>,
    %gather3A_294 = tpu.vector_load_idx %arg8[%add3A_262, %mul3A_265] : memref<64x6xf32, #tpu.memory_space<vmem>>[vector<16xi32>, vector<16xi32>], vector<16xf32>,
    %gather3A_295 = tpu.vector_load_idx %arg8[%add3A_262, %add3A_268] : memref<64x6xf32, #tpu.memory_space<vmem>>[vector<16xi32>, vector<16xi32>], vector<16xf32>,
    %gather3A_296 = tpu.vector_load_idx %arg8[%add3A_262, %add3A_271] : memref<64x6xf32, #tpu.memory_space<vmem>>[vector<16xi32>, vector<16xi32>], vector<16xf32>,
    %sub3A_297 = arith.subf %gather3A_285, %gather3A_279 : vector<16xf32>
    %sub3A_298 = arith.subf %gather3A_289, %gather3A_280 : vector<16xf32>
    %sub3A_299 = arith.subf %gather3A_293, %gather3A_281 : vector<16xf32>
    %mul3A_300 = arith.mulf %sub3A_297, %sub3A_297 : vector<16xf32>
    %mul3A_301 = arith.mulf %sub3A_298, %sub3A_298 : vector<16xf32>
    %add3A_302 = arith.addf %mul3A_300, %mul3A_301 : vector<16xf32>
    %mul3A_303 = arith.mulf %sub3A_299, %sub3A_299 : vector<16xf32>
    %add3A_304 = arith.addf %add3A_302, %mul3A_303 : vector<16xf32>
    %max3A_305 = arith.constant 9.99999996E-13 : f32
    %max3A_306 = vector.broadcast %max3A_305 : f32 to vector<16xf32>
    %max3A_307 = arith.maximumf %add3A_304, %max3A_306 : vector<16xf32>
    %sub3A_308 = arith.subf %gather3A_294, %gather3A_279 : vector<16xf32>
    %mul3A_309 = arith.mulf %sub3A_308, %sub3A_297 : vector<16xf32>
    %sub3A_310 = arith.subf %gather3A_295, %gather3A_280 : vector<16xf32>
    %mul3A_311 = arith.mulf %sub3A_310, %sub3A_298 : vector<16xf32>
    %add3A_312 = arith.addf %mul3A_309, %mul3A_311 : vector<16xf32>
    %sub3A_313 = arith.subf %gather3A_296, %gather3A_281 : vector<16xf32>
    %mul3A_314 = arith.mulf %sub3A_313, %sub3A_299 : vector<16xf32>
    %add3A_315 = arith.addf %add3A_312, %mul3A_314 : vector<16xf32>
    %div3A_316 = arith.divf %add3A_315, %max3A_307 : vector<16xf32>
    %jit3A_317 = arith.constant 0.000000e+00 : f32
    %jit3A_318 = arith.constant 1.000000e+00 : f32
    %max3A_319 = vector.broadcast %jit3A_317 : f32 to vector<16xf32>
    %max3A_320 = arith.maximumf %max3A_319, %div3A_316 : vector<16xf32>
    %min3A_321 = vector.broadcast %jit3A_318 : f32 to vector<16xf32>
    %min3A_322 = arith.minimumf %min3A_321, %max3A_320 : vector<16xf32>
    %mul3A_323 = arith.mulf %min3A_322, %sub3A_297 : vector<16xf32>
    %add3A_324 = arith.addf %gather3A_279, %mul3A_323 : vector<16xf32>
    %mul3A_325 = arith.mulf %min3A_322, %sub3A_298 : vector<16xf32>
    %add3A_326 = arith.addf %gather3A_280, %mul3A_325 : vector<16xf32>
    %mul3A_327 = arith.mulf %min3A_322, %sub3A_299 : vector<16xf32>
    %add3A_328 = arith.addf %gather3A_281, %mul3A_327 : vector<16xf32>
    %select_n3A_329 = arith.select %ge3A_275, %add3A_324, %gather3A_294 : vector<16xi1>, vector<16xf32>
    tpu.vector_store_idx %arg8[%add3A_262, %mul3A_265], %select_n3A_329 : memref<64x6xf32, #tpu.memory_space<vmem>>[vector<16xi32>, vector<16xi32>], vector<16xf32>,
    %select_n3A_330 = arith.select %ge3A_275, %add3A_326, %gather3A_295 : vector<16xi1>, vector<16xf32>
    tpu.vector_store_idx %arg8[%add3A_262, %add3A_268], %select_n3A_330 : memref<64x6xf32, #tpu.memory_space<vmem>>[vector<16xi32>, vector<16xi32>], vector<16xf32>,
    %select_n3A_331 = arith.select %ge3A_275, %add3A_328, %gather3A_296 : vector<16xi1>, vector<16xf32>
    tpu.vector_store_idx %arg8[%add3A_262, %add3A_271], %select_n3A_331 : memref<64x6xf32, #tpu.memory_space<vmem>>[vector<16xi32>, vector<16xi32>], vector<16xf32>,
    "tpu.region"() ({
      %run_scoped3A = tpu.sem_alloc : memref<!tpu.dma_semaphore, #tpu.memory_space<semaphore_mem>>
      %dma_start3A_332 = arith.constant 0 : i32
      %dma_start3A_333 = arith.constant 0 : i32
      %dma_start3A_334 = tpu.memref_slice %arg5[%add3A, %dma_start3A_332, %dma_start3A_333] : memref<32x64x6xf32, #tpu.memory_space<hbm>> -> memref<1x64x6xf32, #tpu.memory_space<hbm>>
      %dma_start3A_335 = tpu.memref_squeeze %dma_start3A_334 : memref<1x64x6xf32, #tpu.memory_space<hbm>> -> memref<64x6xf32, #tpu.memory_space<hbm>>
      %dma_start3A_336 = arith.constant 0 : i32
      %dma_start3A_337 = arith.constant 0 : i32
      %dma_start3A_338 = tpu.memref_slice %arg5[%add3A, %dma_start3A_336, %dma_start3A_337] : memref<32x64x6xf32, #tpu.memory_space<hbm>> -> memref<1x64x6xf32, #tpu.memory_space<hbm>>
      %dma_start3A_339 = tpu.memref_squeeze %dma_start3A_338 : memref<1x64x6xf32, #tpu.memory_space<hbm>> -> memref<64x6xf32, #tpu.memory_space<hbm>>
      tpu.enqueue_dma source(%arg8 : memref<64x6xf32, #tpu.memory_space<vmem>>) target(%dma_start3A_339 : memref<64x6xf32, #tpu.memory_space<hbm>>) target_semaphore(%run_scoped3A : memref<!tpu.dma_semaphore, #tpu.memory_space<semaphore_mem>>)
      %dma_wait3A_340 = arith.constant 0 : i32
      %dma_wait3A_341 = arith.constant 0 : i32
      %dma_wait3A_342 = tpu.memref_slice %arg5[%add3A, %dma_wait3A_340, %dma_wait3A_341] : memref<32x64x6xf32, #tpu.memory_space<hbm>> -> memref<1x64x6xf32, #tpu.memory_space<hbm>>
      %dma_wait3A_343 = tpu.memref_squeeze %dma_wait3A_342 : memref<1x64x6xf32, #tpu.memory_space<hbm>> -> memref<64x6xf32, #tpu.memory_space<hbm>>
      %dma_wait3A_344 = arith.constant 0 : i32
      %dma_wait3A_345 = arith.constant 0 : i32
      %dma_wait3A_346 = tpu.memref_slice %arg5[%add3A, %dma_wait3A_344, %dma_wait3A_345] : memref<32x64x6xf32, #tpu.memory_space<hbm>> -> memref<1x64x6xf32, #tpu.memory_space<hbm>>
      %dma_wait3A_347 = tpu.memref_squeeze %dma_wait3A_346 : memref<1x64x6xf32, #tpu.memory_space<hbm>> -> memref<64x6xf32, #tpu.memory_space<hbm>>
      tpu.wait_dma2 semaphore(%run_scoped3A : memref<!tpu.dma_semaphore, #tpu.memory_space<semaphore_mem>>) src(%arg8 : memref<64x6xf32, #tpu.memory_space<vmem>>) dst(%dma_wait3A_347 : memref<64x6xf32, #tpu.memory_space<hbm>>)
      tpu.yield
    }) : () -> ()
    return
  }
}

#map = affine_map<(d0, d1) -> (0, 0, 0)>
module attributes {stable_mosaic.version = 14 : i64} {
  func.func @_sc_kernel(%arg0: i32, %arg1: i32, %arg2: memref<64x3x2048xf32, #tpu.memory_space<hbm>>, %arg3: memref<32x64x1xi32, #tpu.memory_space<hbm>>, %arg4: memref<64x64x6xf32, #tpu.memory_space<hbm>>, %arg5: memref<32x64x6xf32, #tpu.memory_space<hbm>>, %arg6: memref<3x2048xf32, #tpu.memory_space<vmem>>, %arg7: memref<64x1xi32, #tpu.memory_space<vmem>>, %arg8: memref<64x6xf32, #tpu.memory_space<vmem>>, %arg9: memref<!tpu.dma_semaphore, #tpu.memory_space<semaphore_mem>>, %arg10: memref<!tpu.dma_semaphore, #tpu.memory_space<semaphore_mem>>, %arg11: memref<!tpu.dma_semaphore, #tpu.memory_space<semaphore_mem>>) attributes {dimension_semantics = [#tpu.dimension_semantics<core_parallel>, #tpu.dimension_semantics<subcore_parallel>], iteration_bounds = array<i64: 2, 16>, scalar_prefetch = 0 : i64, scratch_operands = 6 : i64, tpu.core_type = #tpu.core_type<sc_vector_subcore>, window_params = [{transform_indices = #map}, {transform_indices = #map}, {transform_indices = #map}, {transform_indices = #map}]} {
    %mul3A = arith.constant 2 : i32
    %mul3A_0 = arith.muli %arg1, %mul3A : i32
    %add3A = arith.addi %mul3A_0, %arg0 : i32
    %add3A_1 = arith.constant 32 : i32
    %add3A_2 = arith.addi %add3A, %add3A_1 : i32
    %dma_start3A = arith.constant 0 : i32
    %dma_start3A_3 = arith.constant 0 : i32
    %dma_start3A_4 = tpu.memref_slice %arg2[%add3A_2, %dma_start3A, %dma_start3A_3] : memref<64x3x2048xf32, #tpu.memory_space<hbm>> -> memref<1x3x2048xf32, #tpu.memory_space<hbm>>
    %dma_start3A_5 = tpu.memref_squeeze %dma_start3A_4 : memref<1x3x2048xf32, #tpu.memory_space<hbm>> -> memref<3x2048xf32, #tpu.memory_space<hbm>>
    %dma_start3A_6 = arith.constant 0 : i32
    %dma_start3A_7 = arith.constant 0 : i32
    %dma_start3A_8 = tpu.memref_slice %arg2[%add3A_2, %dma_start3A_6, %dma_start3A_7] : memref<64x3x2048xf32, #tpu.memory_space<hbm>> -> memref<1x3x2048xf32, #tpu.memory_space<hbm>>
    %dma_start3A_9 = tpu.memref_squeeze %dma_start3A_8 : memref<1x3x2048xf32, #tpu.memory_space<hbm>> -> memref<3x2048xf32, #tpu.memory_space<hbm>>
    tpu.enqueue_dma source(%dma_start3A_9 : memref<3x2048xf32, #tpu.memory_space<hbm>>) target(%arg6 : memref<3x2048xf32, #tpu.memory_space<vmem>>) target_semaphore(%arg9 : memref<!tpu.dma_semaphore, #tpu.memory_space<semaphore_mem>>)
    %dma_start3A_10 = arith.constant 0 : i32
    %dma_start3A_11 = arith.constant 0 : i32
    %dma_start3A_12 = tpu.memref_slice %arg3[%add3A, %dma_start3A_10, %dma_start3A_11] : memref<32x64x1xi32, #tpu.memory_space<hbm>> -> memref<1x64x1xi32, #tpu.memory_space<hbm>>
    %dma_start3A_13 = tpu.memref_squeeze %dma_start3A_12 : memref<1x64x1xi32, #tpu.memory_space<hbm>> -> memref<64x1xi32, #tpu.memory_space<hbm>>
    %dma_start3A_14 = arith.constant 0 : i32
    %dma_start3A_15 = arith.constant 0 : i32
    %dma_start3A_16 = tpu.memref_slice %arg3[%add3A, %dma_start3A_14, %dma_start3A_15] : memref<32x64x1xi32, #tpu.memory_space<hbm>> -> memref<1x64x1xi32, #tpu.memory_space<hbm>>
    %dma_start3A_17 = tpu.memref_squeeze %dma_start3A_16 : memref<1x64x1xi32, #tpu.memory_space<hbm>> -> memref<64x1xi32, #tpu.memory_space<hbm>>
    tpu.enqueue_dma source(%dma_start3A_17 : memref<64x1xi32, #tpu.memory_space<hbm>>) target(%arg7 : memref<64x1xi32, #tpu.memory_space<vmem>>) target_semaphore(%arg10 : memref<!tpu.dma_semaphore, #tpu.memory_space<semaphore_mem>>)
    %dma_start3A_18 = arith.constant 0 : i32
    %dma_start3A_19 = arith.constant 0 : i32
    %dma_start3A_20 = tpu.memref_slice %arg4[%add3A_2, %dma_start3A_18, %dma_start3A_19] : memref<64x64x6xf32, #tpu.memory_space<hbm>> -> memref<1x64x6xf32, #tpu.memory_space<hbm>>
    %dma_start3A_21 = tpu.memref_squeeze %dma_start3A_20 : memref<1x64x6xf32, #tpu.memory_space<hbm>> -> memref<64x6xf32, #tpu.memory_space<hbm>>
    %dma_start3A_22 = arith.constant 0 : i32
    %dma_start3A_23 = arith.constant 0 : i32
    %dma_start3A_24 = tpu.memref_slice %arg4[%add3A_2, %dma_start3A_22, %dma_start3A_23] : memref<64x64x6xf32, #tpu.memory_space<hbm>> -> memref<1x64x6xf32, #tpu.memory_space<hbm>>
    %dma_start3A_25 = tpu.memref_squeeze %dma_start3A_24 : memref<1x64x6xf32, #tpu.memory_space<hbm>> -> memref<64x6xf32, #tpu.memory_space<hbm>>
    tpu.enqueue_dma source(%dma_start3A_25 : memref<64x6xf32, #tpu.memory_space<hbm>>) target(%arg8 : memref<64x6xf32, #tpu.memory_space<vmem>>) target_semaphore(%arg11 : memref<!tpu.dma_semaphore, #tpu.memory_space<semaphore_mem>>)
    %dma_wait3A = arith.constant 0 : i32
    %dma_wait3A_26 = arith.constant 0 : i32
    %dma_wait3A_27 = tpu.memref_slice %arg2[%add3A_2, %dma_wait3A, %dma_wait3A_26] : memref<64x3x2048xf32, #tpu.memory_space<hbm>> -> memref<1x3x2048xf32, #tpu.memory_space<hbm>>
    %dma_wait3A_28 = tpu.memref_squeeze %dma_wait3A_27 : memref<1x3x2048xf32, #tpu.memory_space<hbm>> -> memref<3x2048xf32, #tpu.memory_space<hbm>>
    %dma_wait3A_29 = arith.constant 0 : i32
    %dma_wait3A_30 = arith.constant 0 : i32
    %dma_wait3A_31 = tpu.memref_slice %arg2[%add3A_2, %dma_wait3A_29, %dma_wait3A_30] : memref<64x3x2048xf32, #tpu.memory_space<hbm>> -> memref<1x3x2048xf32, #tpu.memory_space<hbm>>
    %dma_wait3A_32 = tpu.memref_squeeze %dma_wait3A_31 : memref<1x3x2048xf32, #tpu.memory_space<hbm>> -> memref<3x2048xf32, #tpu.memory_space<hbm>>
    tpu.wait_dma2 semaphore(%arg9 : memref<!tpu.dma_semaphore, #tpu.memory_space<semaphore_mem>>) src(%dma_wait3A_32 : memref<3x2048xf32, #tpu.memory_space<hbm>>) dst(%arg6 : memref<3x2048xf32, #tpu.memory_space<vmem>>)
    %dma_wait3A_33 = arith.constant 0 : i32
    %dma_wait3A_34 = arith.constant 0 : i32
    %dma_wait3A_35 = tpu.memref_slice %arg3[%add3A, %dma_wait3A_33, %dma_wait3A_34] : memref<32x64x1xi32, #tpu.memory_space<hbm>> -> memref<1x64x1xi32, #tpu.memory_space<hbm>>
    %dma_wait3A_36 = tpu.memref_squeeze %dma_wait3A_35 : memref<1x64x1xi32, #tpu.memory_space<hbm>> -> memref<64x1xi32, #tpu.memory_space<hbm>>
    %dma_wait3A_37 = arith.constant 0 : i32
    %dma_wait3A_38 = arith.constant 0 : i32
    %dma_wait3A_39 = tpu.memref_slice %arg3[%add3A, %dma_wait3A_37, %dma_wait3A_38] : memref<32x64x1xi32, #tpu.memory_space<hbm>> -> memref<1x64x1xi32, #tpu.memory_space<hbm>>
    %dma_wait3A_40 = tpu.memref_squeeze %dma_wait3A_39 : memref<1x64x1xi32, #tpu.memory_space<hbm>> -> memref<64x1xi32, #tpu.memory_space<hbm>>
    tpu.wait_dma2 semaphore(%arg10 : memref<!tpu.dma_semaphore, #tpu.memory_space<semaphore_mem>>) src(%dma_wait3A_40 : memref<64x1xi32, #tpu.memory_space<hbm>>) dst(%arg7 : memref<64x1xi32, #tpu.memory_space<vmem>>)
    %dma_wait3A_41 = arith.constant 0 : i32
    %dma_wait3A_42 = arith.constant 0 : i32
    %dma_wait3A_43 = tpu.memref_slice %arg4[%add3A_2, %dma_wait3A_41, %dma_wait3A_42] : memref<64x64x6xf32, #tpu.memory_space<hbm>> -> memref<1x64x6xf32, #tpu.memory_space<hbm>>
    %dma_wait3A_44 = tpu.memref_squeeze %dma_wait3A_43 : memref<1x64x6xf32, #tpu.memory_space<hbm>> -> memref<64x6xf32, #tpu.memory_space<hbm>>
    %dma_wait3A_45 = arith.constant 0 : i32
    %dma_wait3A_46 = arith.constant 0 : i32
    %dma_wait3A_47 = tpu.memref_slice %arg4[%add3A_2, %dma_wait3A_45, %dma_wait3A_46] : memref<64x64x6xf32, #tpu.memory_space<hbm>> -> memref<1x64x6xf32, #tpu.memory_space<hbm>>
    %dma_wait3A_48 = tpu.memref_squeeze %dma_wait3A_47 : memref<1x64x6xf32, #tpu.memory_space<hbm>> -> memref<64x6xf32, #tpu.memory_space<hbm>>
    tpu.wait_dma2 semaphore(%arg11 : memref<!tpu.dma_semaphore, #tpu.memory_space<semaphore_mem>>) src(%dma_wait3A_48 : memref<64x6xf32, #tpu.memory_space<hbm>>) dst(%arg8 : memref<64x6xf32, #tpu.memory_space<vmem>>)
    %iota3A = tpu.iota {dimensions = array<i32: 0>} : vector<16xi32>
    %add3A_49 = arith.constant 0 : i32
    %add3A_50 = vector.broadcast %add3A_49 : i32 to vector<16xi32>
    %add3A_51 = arith.addi %iota3A, %add3A_50 : vector<16xi32>
    %mul3A_52 = arith.constant 0 : i32
    %mul3A_53 = vector.broadcast %mul3A_52 : i32 to vector<16xi32>
    %mul3A_54 = arith.muli %add3A_51, %mul3A_53 : vector<16xi32>
    %add3A_55 = arith.constant 1 : i32
    %add3A_56 = vector.broadcast %add3A_55 : i32 to vector<16xi32>
    %add3A_57 = arith.addi %mul3A_54, %add3A_56 : vector<16xi32>
    %add3A_58 = arith.constant 2 : i32
    %add3A_59 = vector.broadcast %add3A_58 : i32 to vector<16xi32>
    %add3A_60 = arith.addi %mul3A_54, %add3A_59 : vector<16xi32>
    %gather3A = tpu.vector_load_idx %arg7[%add3A_51, %mul3A_54] : memref<64x1xi32, #tpu.memory_space<vmem>>[vector<16xi32>, vector<16xi32>], vector<16xi32>,
    %ge3A = arith.constant 0 : i32
    %ge3A_61 = vector.broadcast %ge3A : i32 to vector<16xi32>
    %ge3A_62 = arith.cmpi sge, %gather3A, %ge3A_61 : vector<16xi32>
    %max3A = arith.constant 0 : i32
    %max3A_63 = vector.broadcast %max3A : i32 to vector<16xi32>
    %max3A_64 = arith.maxsi %gather3A, %max3A_63 : vector<16xi32>
    %gather3A_65 = tpu.vector_load_idx %arg6[%mul3A_54, %max3A_64] : memref<3x2048xf32, #tpu.memory_space<vmem>>[vector<16xi32>, vector<16xi32>], vector<16xf32>,
    %gather3A_66 = tpu.vector_load_idx %arg6[%add3A_57, %max3A_64] : memref<3x2048xf32, #tpu.memory_space<vmem>>[vector<16xi32>, vector<16xi32>], vector<16xf32>,
    %gather3A_67 = tpu.vector_load_idx %arg6[%add3A_60, %max3A_64] : memref<3x2048xf32, #tpu.memory_space<vmem>>[vector<16xi32>, vector<16xi32>], vector<16xf32>,
    %add3A_68 = arith.constant 1 : i32
    %add3A_69 = vector.broadcast %add3A_68 : i32 to vector<16xi32>
    %add3A_70 = arith.addi %max3A_64, %add3A_69 : vector<16xi32>
    %gather3A_71 = tpu.vector_load_idx %arg6[%mul3A_54, %add3A_70] : memref<3x2048xf32, #tpu.memory_space<vmem>>[vector<16xi32>, vector<16xi32>], vector<16xf32>,
    %add3A_72 = arith.constant 1 : i32
    %add3A_73 = vector.broadcast %add3A_72 : i32 to vector<16xi32>
    %add3A_74 = arith.addi %max3A_64, %add3A_73 : vector<16xi32>
    %gather3A_75 = tpu.vector_load_idx %arg6[%add3A_57, %add3A_74] : memref<3x2048xf32, #tpu.memory_space<vmem>>[vector<16xi32>, vector<16xi32>], vector<16xf32>,
    %add3A_76 = arith.constant 1 : i32
    %add3A_77 = vector.broadcast %add3A_76 : i32 to vector<16xi32>
    %add3A_78 = arith.addi %max3A_64, %add3A_77 : vector<16xi32>
    %gather3A_79 = tpu.vector_load_idx %arg6[%add3A_60, %add3A_78] : memref<3x2048xf32, #tpu.memory_space<vmem>>[vector<16xi32>, vector<16xi32>], vector<16xf32>,
    %gather3A_80 = tpu.vector_load_idx %arg8[%add3A_51, %mul3A_54] : memref<64x6xf32, #tpu.memory_space<vmem>>[vector<16xi32>, vector<16xi32>], vector<16xf32>,
    %gather3A_81 = tpu.vector_load_idx %arg8[%add3A_51, %add3A_57] : memref<64x6xf32, #tpu.memory_space<vmem>>[vector<16xi32>, vector<16xi32>], vector<16xf32>,
    %gather3A_82 = tpu.vector_load_idx %arg8[%add3A_51, %add3A_60] : memref<64x6xf32, #tpu.memory_space<vmem>>[vector<16xi32>, vector<16xi32>], vector<16xf32>,
    %sub3A = arith.subf %gather3A_71, %gather3A_65 : vector<16xf32>
    %sub3A_83 = arith.subf %gather3A_75, %gather3A_66 : vector<16xf32>
    %sub3A_84 = arith.subf %gather3A_79, %gather3A_67 : vector<16xf32>
    %mul3A_85 = arith.mulf %sub3A, %sub3A : vector<16xf32>
    %mul3A_86 = arith.mulf %sub3A_83, %sub3A_83 : vector<16xf32>
    %add3A_87 = arith.addf %mul3A_85, %mul3A_86 : vector<16xf32>
    %mul3A_88 = arith.mulf %sub3A_84, %sub3A_84 : vector<16xf32>
    %add3A_89 = arith.addf %add3A_87, %mul3A_88 : vector<16xf32>
    %max3A_90 = arith.constant 9.99999996E-13 : f32
    %max3A_91 = vector.broadcast %max3A_90 : f32 to vector<16xf32>
    %max3A_92 = arith.maximumf %add3A_89, %max3A_91 : vector<16xf32>
    %sub3A_93 = arith.subf %gather3A_80, %gather3A_65 : vector<16xf32>
    %mul3A_94 = arith.mulf %sub3A_93, %sub3A : vector<16xf32>
    %sub3A_95 = arith.subf %gather3A_81, %gather3A_66 : vector<16xf32>
    %mul3A_96 = arith.mulf %sub3A_95, %sub3A_83 : vector<16xf32>
    %add3A_97 = arith.addf %mul3A_94, %mul3A_96 : vector<16xf32>
    %sub3A_98 = arith.subf %gather3A_82, %gather3A_67 : vector<16xf32>
    %mul3A_99 = arith.mulf %sub3A_98, %sub3A_84 : vector<16xf32>
    %add3A_100 = arith.addf %add3A_97, %mul3A_99 : vector<16xf32>
    %div3A = arith.divf %add3A_100, %max3A_92 : vector<16xf32>
    %jit3A = arith.constant 0.000000e+00 : f32
    %jit3A_101 = arith.constant 1.000000e+00 : f32
    %max3A_102 = vector.broadcast %jit3A : f32 to vector<16xf32>
    %max3A_103 = arith.maximumf %max3A_102, %div3A : vector<16xf32>
    %min3A = vector.broadcast %jit3A_101 : f32 to vector<16xf32>
    %min3A_104 = arith.minimumf %min3A, %max3A_103 : vector<16xf32>
    %mul3A_105 = arith.mulf %min3A_104, %sub3A : vector<16xf32>
    %add3A_106 = arith.addf %gather3A_65, %mul3A_105 : vector<16xf32>
    %mul3A_107 = arith.mulf %min3A_104, %sub3A_83 : vector<16xf32>
    %add3A_108 = arith.addf %gather3A_66, %mul3A_107 : vector<16xf32>
    %mul3A_109 = arith.mulf %min3A_104, %sub3A_84 : vector<16xf32>
    %add3A_110 = arith.addf %gather3A_67, %mul3A_109 : vector<16xf32>
    %select_n3A = arith.select %ge3A_62, %add3A_106, %gather3A_80 : vector<16xi1>, vector<16xf32>
    tpu.vector_store_idx %arg8[%add3A_51, %mul3A_54], %select_n3A : memref<64x6xf32, #tpu.memory_space<vmem>>[vector<16xi32>, vector<16xi32>], vector<16xf32>,
    %select_n3A_111 = arith.select %ge3A_62, %add3A_108, %gather3A_81 : vector<16xi1>, vector<16xf32>
    tpu.vector_store_idx %arg8[%add3A_51, %add3A_57], %select_n3A_111 : memref<64x6xf32, #tpu.memory_space<vmem>>[vector<16xi32>, vector<16xi32>], vector<16xf32>,
    %select_n3A_112 = arith.select %ge3A_62, %add3A_110, %gather3A_82 : vector<16xi1>, vector<16xf32>
    tpu.vector_store_idx %arg8[%add3A_51, %add3A_60], %select_n3A_112 : memref<64x6xf32, #tpu.memory_space<vmem>>[vector<16xi32>, vector<16xi32>], vector<16xf32>,
    %iota3A_113 = tpu.iota {dimensions = array<i32: 0>} : vector<16xi32>
    %add3A_114 = arith.constant 16 : i32
    %add3A_115 = vector.broadcast %add3A_114 : i32 to vector<16xi32>
    %add3A_116 = arith.addi %iota3A_113, %add3A_115 : vector<16xi32>
    %mul3A_117 = arith.constant 0 : i32
    %mul3A_118 = vector.broadcast %mul3A_117 : i32 to vector<16xi32>
    %mul3A_119 = arith.muli %add3A_116, %mul3A_118 : vector<16xi32>
    %add3A_120 = arith.constant 1 : i32
    %add3A_121 = vector.broadcast %add3A_120 : i32 to vector<16xi32>
    %add3A_122 = arith.addi %mul3A_119, %add3A_121 : vector<16xi32>
    %add3A_123 = arith.constant 2 : i32
    %add3A_124 = vector.broadcast %add3A_123 : i32 to vector<16xi32>
    %add3A_125 = arith.addi %mul3A_119, %add3A_124 : vector<16xi32>
    %gather3A_126 = tpu.vector_load_idx %arg7[%add3A_116, %mul3A_119] : memref<64x1xi32, #tpu.memory_space<vmem>>[vector<16xi32>, vector<16xi32>], vector<16xi32>,
    %ge3A_127 = arith.constant 0 : i32
    %ge3A_128 = vector.broadcast %ge3A_127 : i32 to vector<16xi32>
    %ge3A_129 = arith.cmpi sge, %gather3A_126, %ge3A_128 : vector<16xi32>
    %max3A_130 = arith.constant 0 : i32
    %max3A_131 = vector.broadcast %max3A_130 : i32 to vector<16xi32>
    %max3A_132 = arith.maxsi %gather3A_126, %max3A_131 : vector<16xi32>
    %gather3A_133 = tpu.vector_load_idx %arg6[%mul3A_119, %max3A_132] : memref<3x2048xf32, #tpu.memory_space<vmem>>[vector<16xi32>, vector<16xi32>], vector<16xf32>,
    %gather3A_134 = tpu.vector_load_idx %arg6[%add3A_122, %max3A_132] : memref<3x2048xf32, #tpu.memory_space<vmem>>[vector<16xi32>, vector<16xi32>], vector<16xf32>,
    %gather3A_135 = tpu.vector_load_idx %arg6[%add3A_125, %max3A_132] : memref<3x2048xf32, #tpu.memory_space<vmem>>[vector<16xi32>, vector<16xi32>], vector<16xf32>,
    %add3A_136 = arith.constant 1 : i32
    %add3A_137 = vector.broadcast %add3A_136 : i32 to vector<16xi32>
    %add3A_138 = arith.addi %max3A_132, %add3A_137 : vector<16xi32>
    %gather3A_139 = tpu.vector_load_idx %arg6[%mul3A_119, %add3A_138] : memref<3x2048xf32, #tpu.memory_space<vmem>>[vector<16xi32>, vector<16xi32>], vector<16xf32>,
    %add3A_140 = arith.constant 1 : i32
    %add3A_141 = vector.broadcast %add3A_140 : i32 to vector<16xi32>
    %add3A_142 = arith.addi %max3A_132, %add3A_141 : vector<16xi32>
    %gather3A_143 = tpu.vector_load_idx %arg6[%add3A_122, %add3A_142] : memref<3x2048xf32, #tpu.memory_space<vmem>>[vector<16xi32>, vector<16xi32>], vector<16xf32>,
    %add3A_144 = arith.constant 1 : i32
    %add3A_145 = vector.broadcast %add3A_144 : i32 to vector<16xi32>
    %add3A_146 = arith.addi %max3A_132, %add3A_145 : vector<16xi32>
    %gather3A_147 = tpu.vector_load_idx %arg6[%add3A_125, %add3A_146] : memref<3x2048xf32, #tpu.memory_space<vmem>>[vector<16xi32>, vector<16xi32>], vector<16xf32>,
    %gather3A_148 = tpu.vector_load_idx %arg8[%add3A_116, %mul3A_119] : memref<64x6xf32, #tpu.memory_space<vmem>>[vector<16xi32>, vector<16xi32>], vector<16xf32>,
    %gather3A_149 = tpu.vector_load_idx %arg8[%add3A_116, %add3A_122] : memref<64x6xf32, #tpu.memory_space<vmem>>[vector<16xi32>, vector<16xi32>], vector<16xf32>,
    %gather3A_150 = tpu.vector_load_idx %arg8[%add3A_116, %add3A_125] : memref<64x6xf32, #tpu.memory_space<vmem>>[vector<16xi32>, vector<16xi32>], vector<16xf32>,
    %sub3A_151 = arith.subf %gather3A_139, %gather3A_133 : vector<16xf32>
    %sub3A_152 = arith.subf %gather3A_143, %gather3A_134 : vector<16xf32>
    %sub3A_153 = arith.subf %gather3A_147, %gather3A_135 : vector<16xf32>
    %mul3A_154 = arith.mulf %sub3A_151, %sub3A_151 : vector<16xf32>
    %mul3A_155 = arith.mulf %sub3A_152, %sub3A_152 : vector<16xf32>
    %add3A_156 = arith.addf %mul3A_154, %mul3A_155 : vector<16xf32>
    %mul3A_157 = arith.mulf %sub3A_153, %sub3A_153 : vector<16xf32>
    %add3A_158 = arith.addf %add3A_156, %mul3A_157 : vector<16xf32>
    %max3A_159 = arith.constant 9.99999996E-13 : f32
    %max3A_160 = vector.broadcast %max3A_159 : f32 to vector<16xf32>
    %max3A_161 = arith.maximumf %add3A_158, %max3A_160 : vector<16xf32>
    %sub3A_162 = arith.subf %gather3A_148, %gather3A_133 : vector<16xf32>
    %mul3A_163 = arith.mulf %sub3A_162, %sub3A_151 : vector<16xf32>
    %sub3A_164 = arith.subf %gather3A_149, %gather3A_134 : vector<16xf32>
    %mul3A_165 = arith.mulf %sub3A_164, %sub3A_152 : vector<16xf32>
    %add3A_166 = arith.addf %mul3A_163, %mul3A_165 : vector<16xf32>
    %sub3A_167 = arith.subf %gather3A_150, %gather3A_135 : vector<16xf32>
    %mul3A_168 = arith.mulf %sub3A_167, %sub3A_153 : vector<16xf32>
    %add3A_169 = arith.addf %add3A_166, %mul3A_168 : vector<16xf32>
    %div3A_170 = arith.divf %add3A_169, %max3A_161 : vector<16xf32>
    %jit3A_171 = arith.constant 0.000000e+00 : f32
    %jit3A_172 = arith.constant 1.000000e+00 : f32
    %max3A_173 = vector.broadcast %jit3A_171 : f32 to vector<16xf32>
    %max3A_174 = arith.maximumf %max3A_173, %div3A_170 : vector<16xf32>
    %min3A_175 = vector.broadcast %jit3A_172 : f32 to vector<16xf32>
    %min3A_176 = arith.minimumf %min3A_175, %max3A_174 : vector<16xf32>
    %mul3A_177 = arith.mulf %min3A_176, %sub3A_151 : vector<16xf32>
    %add3A_178 = arith.addf %gather3A_133, %mul3A_177 : vector<16xf32>
    %mul3A_179 = arith.mulf %min3A_176, %sub3A_152 : vector<16xf32>
    %add3A_180 = arith.addf %gather3A_134, %mul3A_179 : vector<16xf32>
    %mul3A_181 = arith.mulf %min3A_176, %sub3A_153 : vector<16xf32>
    %add3A_182 = arith.addf %gather3A_135, %mul3A_181 : vector<16xf32>
    %select_n3A_183 = arith.select %ge3A_129, %add3A_178, %gather3A_148 : vector<16xi1>, vector<16xf32>
    tpu.vector_store_idx %arg8[%add3A_116, %mul3A_119], %select_n3A_183 : memref<64x6xf32, #tpu.memory_space<vmem>>[vector<16xi32>, vector<16xi32>], vector<16xf32>,
    %select_n3A_184 = arith.select %ge3A_129, %add3A_180, %gather3A_149 : vector<16xi1>, vector<16xf32>
    tpu.vector_store_idx %arg8[%add3A_116, %add3A_122], %select_n3A_184 : memref<64x6xf32, #tpu.memory_space<vmem>>[vector<16xi32>, vector<16xi32>], vector<16xf32>,
    %select_n3A_185 = arith.select %ge3A_129, %add3A_182, %gather3A_150 : vector<16xi1>, vector<16xf32>
    tpu.vector_store_idx %arg8[%add3A_116, %add3A_125], %select_n3A_185 : memref<64x6xf32, #tpu.memory_space<vmem>>[vector<16xi32>, vector<16xi32>], vector<16xf32>,
    %iota3A_186 = tpu.iota {dimensions = array<i32: 0>} : vector<16xi32>
    %add3A_187 = arith.constant 32 : i32
    %add3A_188 = vector.broadcast %add3A_187 : i32 to vector<16xi32>
    %add3A_189 = arith.addi %iota3A_186, %add3A_188 : vector<16xi32>
    %mul3A_190 = arith.constant 0 : i32
    %mul3A_191 = vector.broadcast %mul3A_190 : i32 to vector<16xi32>
    %mul3A_192 = arith.muli %add3A_189, %mul3A_191 : vector<16xi32>
    %add3A_193 = arith.constant 1 : i32
    %add3A_194 = vector.broadcast %add3A_193 : i32 to vector<16xi32>
    %add3A_195 = arith.addi %mul3A_192, %add3A_194 : vector<16xi32>
    %add3A_196 = arith.constant 2 : i32
    %add3A_197 = vector.broadcast %add3A_196 : i32 to vector<16xi32>
    %add3A_198 = arith.addi %mul3A_192, %add3A_197 : vector<16xi32>
    %gather3A_199 = tpu.vector_load_idx %arg7[%add3A_189, %mul3A_192] : memref<64x1xi32, #tpu.memory_space<vmem>>[vector<16xi32>, vector<16xi32>], vector<16xi32>,
    %ge3A_200 = arith.constant 0 : i32
    %ge3A_201 = vector.broadcast %ge3A_200 : i32 to vector<16xi32>
    %ge3A_202 = arith.cmpi sge, %gather3A_199, %ge3A_201 : vector<16xi32>
    %max3A_203 = arith.constant 0 : i32
    %max3A_204 = vector.broadcast %max3A_203 : i32 to vector<16xi32>
    %max3A_205 = arith.maxsi %gather3A_199, %max3A_204 : vector<16xi32>
    %gather3A_206 = tpu.vector_load_idx %arg6[%mul3A_192, %max3A_205] : memref<3x2048xf32, #tpu.memory_space<vmem>>[vector<16xi32>, vector<16xi32>], vector<16xf32>,
    %gather3A_207 = tpu.vector_load_idx %arg6[%add3A_195, %max3A_205] : memref<3x2048xf32, #tpu.memory_space<vmem>>[vector<16xi32>, vector<16xi32>], vector<16xf32>,
    %gather3A_208 = tpu.vector_load_idx %arg6[%add3A_198, %max3A_205] : memref<3x2048xf32, #tpu.memory_space<vmem>>[vector<16xi32>, vector<16xi32>], vector<16xf32>,
    %add3A_209 = arith.constant 1 : i32
    %add3A_210 = vector.broadcast %add3A_209 : i32 to vector<16xi32>
    %add3A_211 = arith.addi %max3A_205, %add3A_210 : vector<16xi32>
    %gather3A_212 = tpu.vector_load_idx %arg6[%mul3A_192, %add3A_211] : memref<3x2048xf32, #tpu.memory_space<vmem>>[vector<16xi32>, vector<16xi32>], vector<16xf32>,
    %add3A_213 = arith.constant 1 : i32
    %add3A_214 = vector.broadcast %add3A_213 : i32 to vector<16xi32>
    %add3A_215 = arith.addi %max3A_205, %add3A_214 : vector<16xi32>
    %gather3A_216 = tpu.vector_load_idx %arg6[%add3A_195, %add3A_215] : memref<3x2048xf32, #tpu.memory_space<vmem>>[vector<16xi32>, vector<16xi32>], vector<16xf32>,
    %add3A_217 = arith.constant 1 : i32
    %add3A_218 = vector.broadcast %add3A_217 : i32 to vector<16xi32>
    %add3A_219 = arith.addi %max3A_205, %add3A_218 : vector<16xi32>
    %gather3A_220 = tpu.vector_load_idx %arg6[%add3A_198, %add3A_219] : memref<3x2048xf32, #tpu.memory_space<vmem>>[vector<16xi32>, vector<16xi32>], vector<16xf32>,
    %gather3A_221 = tpu.vector_load_idx %arg8[%add3A_189, %mul3A_192] : memref<64x6xf32, #tpu.memory_space<vmem>>[vector<16xi32>, vector<16xi32>], vector<16xf32>,
    %gather3A_222 = tpu.vector_load_idx %arg8[%add3A_189, %add3A_195] : memref<64x6xf32, #tpu.memory_space<vmem>>[vector<16xi32>, vector<16xi32>], vector<16xf32>,
    %gather3A_223 = tpu.vector_load_idx %arg8[%add3A_189, %add3A_198] : memref<64x6xf32, #tpu.memory_space<vmem>>[vector<16xi32>, vector<16xi32>], vector<16xf32>,
    %sub3A_224 = arith.subf %gather3A_212, %gather3A_206 : vector<16xf32>
    %sub3A_225 = arith.subf %gather3A_216, %gather3A_207 : vector<16xf32>
    %sub3A_226 = arith.subf %gather3A_220, %gather3A_208 : vector<16xf32>
    %mul3A_227 = arith.mulf %sub3A_224, %sub3A_224 : vector<16xf32>
    %mul3A_228 = arith.mulf %sub3A_225, %sub3A_225 : vector<16xf32>
    %add3A_229 = arith.addf %mul3A_227, %mul3A_228 : vector<16xf32>
    %mul3A_230 = arith.mulf %sub3A_226, %sub3A_226 : vector<16xf32>
    %add3A_231 = arith.addf %add3A_229, %mul3A_230 : vector<16xf32>
    %max3A_232 = arith.constant 9.99999996E-13 : f32
    %max3A_233 = vector.broadcast %max3A_232 : f32 to vector<16xf32>
    %max3A_234 = arith.maximumf %add3A_231, %max3A_233 : vector<16xf32>
    %sub3A_235 = arith.subf %gather3A_221, %gather3A_206 : vector<16xf32>
    %mul3A_236 = arith.mulf %sub3A_235, %sub3A_224 : vector<16xf32>
    %sub3A_237 = arith.subf %gather3A_222, %gather3A_207 : vector<16xf32>
    %mul3A_238 = arith.mulf %sub3A_237, %sub3A_225 : vector<16xf32>
    %add3A_239 = arith.addf %mul3A_236, %mul3A_238 : vector<16xf32>
    %sub3A_240 = arith.subf %gather3A_223, %gather3A_208 : vector<16xf32>
    %mul3A_241 = arith.mulf %sub3A_240, %sub3A_226 : vector<16xf32>
    %add3A_242 = arith.addf %add3A_239, %mul3A_241 : vector<16xf32>
    %div3A_243 = arith.divf %add3A_242, %max3A_234 : vector<16xf32>
    %jit3A_244 = arith.constant 0.000000e+00 : f32
    %jit3A_245 = arith.constant 1.000000e+00 : f32
    %max3A_246 = vector.broadcast %jit3A_244 : f32 to vector<16xf32>
    %max3A_247 = arith.maximumf %max3A_246, %div3A_243 : vector<16xf32>
    %min3A_248 = vector.broadcast %jit3A_245 : f32 to vector<16xf32>
    %min3A_249 = arith.minimumf %min3A_248, %max3A_247 : vector<16xf32>
    %mul3A_250 = arith.mulf %min3A_249, %sub3A_224 : vector<16xf32>
    %add3A_251 = arith.addf %gather3A_206, %mul3A_250 : vector<16xf32>
    %mul3A_252 = arith.mulf %min3A_249, %sub3A_225 : vector<16xf32>
    %add3A_253 = arith.addf %gather3A_207, %mul3A_252 : vector<16xf32>
    %mul3A_254 = arith.mulf %min3A_249, %sub3A_226 : vector<16xf32>
    %add3A_255 = arith.addf %gather3A_208, %mul3A_254 : vector<16xf32>
    %select_n3A_256 = arith.select %ge3A_202, %add3A_251, %gather3A_221 : vector<16xi1>, vector<16xf32>
    tpu.vector_store_idx %arg8[%add3A_189, %mul3A_192], %select_n3A_256 : memref<64x6xf32, #tpu.memory_space<vmem>>[vector<16xi32>, vector<16xi32>], vector<16xf32>,
    %select_n3A_257 = arith.select %ge3A_202, %add3A_253, %gather3A_222 : vector<16xi1>, vector<16xf32>
    tpu.vector_store_idx %arg8[%add3A_189, %add3A_195], %select_n3A_257 : memref<64x6xf32, #tpu.memory_space<vmem>>[vector<16xi32>, vector<16xi32>], vector<16xf32>,
    %select_n3A_258 = arith.select %ge3A_202, %add3A_255, %gather3A_223 : vector<16xi1>, vector<16xf32>
    tpu.vector_store_idx %arg8[%add3A_189, %add3A_198], %select_n3A_258 : memref<64x6xf32, #tpu.memory_space<vmem>>[vector<16xi32>, vector<16xi32>], vector<16xf32>,
    %iota3A_259 = tpu.iota {dimensions = array<i32: 0>} : vector<16xi32>
    %add3A_260 = arith.constant 48 : i32
    %add3A_261 = vector.broadcast %add3A_260 : i32 to vector<16xi32>
    %add3A_262 = arith.addi %iota3A_259, %add3A_261 : vector<16xi32>
    %mul3A_263 = arith.constant 0 : i32
    %mul3A_264 = vector.broadcast %mul3A_263 : i32 to vector<16xi32>
    %mul3A_265 = arith.muli %add3A_262, %mul3A_264 : vector<16xi32>
    %add3A_266 = arith.constant 1 : i32
    %add3A_267 = vector.broadcast %add3A_266 : i32 to vector<16xi32>
    %add3A_268 = arith.addi %mul3A_265, %add3A_267 : vector<16xi32>
    %add3A_269 = arith.constant 2 : i32
    %add3A_270 = vector.broadcast %add3A_269 : i32 to vector<16xi32>
    %add3A_271 = arith.addi %mul3A_265, %add3A_270 : vector<16xi32>
    %gather3A_272 = tpu.vector_load_idx %arg7[%add3A_262, %mul3A_265] : memref<64x1xi32, #tpu.memory_space<vmem>>[vector<16xi32>, vector<16xi32>], vector<16xi32>,
    %ge3A_273 = arith.constant 0 : i32
    %ge3A_274 = vector.broadcast %ge3A_273 : i32 to vector<16xi32>
    %ge3A_275 = arith.cmpi sge, %gather3A_272, %ge3A_274 : vector<16xi32>
    %max3A_276 = arith.constant 0 : i32
    %max3A_277 = vector.broadcast %max3A_276 : i32 to vector<16xi32>
    %max3A_278 = arith.maxsi %gather3A_272, %max3A_277 : vector<16xi32>
    %gather3A_279 = tpu.vector_load_idx %arg6[%mul3A_265, %max3A_278] : memref<3x2048xf32, #tpu.memory_space<vmem>>[vector<16xi32>, vector<16xi32>], vector<16xf32>,
    %gather3A_280 = tpu.vector_load_idx %arg6[%add3A_268, %max3A_278] : memref<3x2048xf32, #tpu.memory_space<vmem>>[vector<16xi32>, vector<16xi32>], vector<16xf32>,
    %gather3A_281 = tpu.vector_load_idx %arg6[%add3A_271, %max3A_278] : memref<3x2048xf32, #tpu.memory_space<vmem>>[vector<16xi32>, vector<16xi32>], vector<16xf32>,
    %add3A_282 = arith.constant 1 : i32
    %add3A_283 = vector.broadcast %add3A_282 : i32 to vector<16xi32>
    %add3A_284 = arith.addi %max3A_278, %add3A_283 : vector<16xi32>
    %gather3A_285 = tpu.vector_load_idx %arg6[%mul3A_265, %add3A_284] : memref<3x2048xf32, #tpu.memory_space<vmem>>[vector<16xi32>, vector<16xi32>], vector<16xf32>,
    %add3A_286 = arith.constant 1 : i32
    %add3A_287 = vector.broadcast %add3A_286 : i32 to vector<16xi32>
    %add3A_288 = arith.addi %max3A_278, %add3A_287 : vector<16xi32>
    %gather3A_289 = tpu.vector_load_idx %arg6[%add3A_268, %add3A_288] : memref<3x2048xf32, #tpu.memory_space<vmem>>[vector<16xi32>, vector<16xi32>], vector<16xf32>,
    %add3A_290 = arith.constant 1 : i32
    %add3A_291 = vector.broadcast %add3A_290 : i32 to vector<16xi32>
    %add3A_292 = arith.addi %max3A_278, %add3A_291 : vector<16xi32>
    %gather3A_293 = tpu.vector_load_idx %arg6[%add3A_271, %add3A_292] : memref<3x2048xf32, #tpu.memory_space<vmem>>[vector<16xi32>, vector<16xi32>], vector<16xf32>,
    %gather3A_294 = tpu.vector_load_idx %arg8[%add3A_262, %mul3A_265] : memref<64x6xf32, #tpu.memory_space<vmem>>[vector<16xi32>, vector<16xi32>], vector<16xf32>,
    %gather3A_295 = tpu.vector_load_idx %arg8[%add3A_262, %add3A_268] : memref<64x6xf32, #tpu.memory_space<vmem>>[vector<16xi32>, vector<16xi32>], vector<16xf32>,
    %gather3A_296 = tpu.vector_load_idx %arg8[%add3A_262, %add3A_271] : memref<64x6xf32, #tpu.memory_space<vmem>>[vector<16xi32>, vector<16xi32>], vector<16xf32>,
    %sub3A_297 = arith.subf %gather3A_285, %gather3A_279 : vector<16xf32>
    %sub3A_298 = arith.subf %gather3A_289, %gather3A_280 : vector<16xf32>
    %sub3A_299 = arith.subf %gather3A_293, %gather3A_281 : vector<16xf32>
    %mul3A_300 = arith.mulf %sub3A_297, %sub3A_297 : vector<16xf32>
    %mul3A_301 = arith.mulf %sub3A_298, %sub3A_298 : vector<16xf32>
    %add3A_302 = arith.addf %mul3A_300, %mul3A_301 : vector<16xf32>
    %mul3A_303 = arith.mulf %sub3A_299, %sub3A_299 : vector<16xf32>
    %add3A_304 = arith.addf %add3A_302, %mul3A_303 : vector<16xf32>
    %max3A_305 = arith.constant 9.99999996E-13 : f32
    %max3A_306 = vector.broadcast %max3A_305 : f32 to vector<16xf32>
    %max3A_307 = arith.maximumf %add3A_304, %max3A_306 : vector<16xf32>
    %sub3A_308 = arith.subf %gather3A_294, %gather3A_279 : vector<16xf32>
    %mul3A_309 = arith.mulf %sub3A_308, %sub3A_297 : vector<16xf32>
    %sub3A_310 = arith.subf %gather3A_295, %gather3A_280 : vector<16xf32>
    %mul3A_311 = arith.mulf %sub3A_310, %sub3A_298 : vector<16xf32>
    %add3A_312 = arith.addf %mul3A_309, %mul3A_311 : vector<16xf32>
    %sub3A_313 = arith.subf %gather3A_296, %gather3A_281 : vector<16xf32>
    %mul3A_314 = arith.mulf %sub3A_313, %sub3A_299 : vector<16xf32>
    %add3A_315 = arith.addf %add3A_312, %mul3A_314 : vector<16xf32>
    %div3A_316 = arith.divf %add3A_315, %max3A_307 : vector<16xf32>
    %jit3A_317 = arith.constant 0.000000e+00 : f32
    %jit3A_318 = arith.constant 1.000000e+00 : f32
    %max3A_319 = vector.broadcast %jit3A_317 : f32 to vector<16xf32>
    %max3A_320 = arith.maximumf %max3A_319, %div3A_316 : vector<16xf32>
    %min3A_321 = vector.broadcast %jit3A_318 : f32 to vector<16xf32>
    %min3A_322 = arith.minimumf %min3A_321, %max3A_320 : vector<16xf32>
    %mul3A_323 = arith.mulf %min3A_322, %sub3A_297 : vector<16xf32>
    %add3A_324 = arith.addf %gather3A_279, %mul3A_323 : vector<16xf32>
    %mul3A_325 = arith.mulf %min3A_322, %sub3A_298 : vector<16xf32>
    %add3A_326 = arith.addf %gather3A_280, %mul3A_325 : vector<16xf32>
    %mul3A_327 = arith.mulf %min3A_322, %sub3A_299 : vector<16xf32>
    %add3A_328 = arith.addf %gather3A_281, %mul3A_327 : vector<16xf32>
    %select_n3A_329 = arith.select %ge3A_275, %add3A_324, %gather3A_294 : vector<16xi1>, vector<16xf32>
    tpu.vector_store_idx %arg8[%add3A_262, %mul3A_265], %select_n3A_329 : memref<64x6xf32, #tpu.memory_space<vmem>>[vector<16xi32>, vector<16xi32>], vector<16xf32>,
    %select_n3A_330 = arith.select %ge3A_275, %add3A_326, %gather3A_295 : vector<16xi1>, vector<16xf32>
    tpu.vector_store_idx %arg8[%add3A_262, %add3A_268], %select_n3A_330 : memref<64x6xf32, #tpu.memory_space<vmem>>[vector<16xi32>, vector<16xi32>], vector<16xf32>,
    %select_n3A_331 = arith.select %ge3A_275, %add3A_328, %gather3A_296 : vector<16xi1>, vector<16xf32>
    tpu.vector_store_idx %arg8[%add3A_262, %add3A_271], %select_n3A_331 : memref<64x6xf32, #tpu.memory_space<vmem>>[vector<16xi32>, vector<16xi32>], vector<16xf32>,
    "tpu.region"() ({
      %run_scoped3A = tpu.sem_alloc : memref<!tpu.dma_semaphore, #tpu.memory_space<semaphore_mem>>
      %dma_start3A_332 = arith.constant 0 : i32
      %dma_start3A_333 = arith.constant 0 : i32
      %dma_start3A_334 = tpu.memref_slice %arg5[%add3A, %dma_start3A_332, %dma_start3A_333] : memref<32x64x6xf32, #tpu.memory_space<hbm>> -> memref<1x64x6xf32, #tpu.memory_space<hbm>>
      %dma_start3A_335 = tpu.memref_squeeze %dma_start3A_334 : memref<1x64x6xf32, #tpu.memory_space<hbm>> -> memref<64x6xf32, #tpu.memory_space<hbm>>
      %dma_start3A_336 = arith.constant 0 : i32
      %dma_start3A_337 = arith.constant 0 : i32
      %dma_start3A_338 = tpu.memref_slice %arg5[%add3A, %dma_start3A_336, %dma_start3A_337] : memref<32x64x6xf32, #tpu.memory_space<hbm>> -> memref<1x64x6xf32, #tpu.memory_space<hbm>>
      %dma_start3A_339 = tpu.memref_squeeze %dma_start3A_338 : memref<1x64x6xf32, #tpu.memory_space<hbm>> -> memref<64x6xf32, #tpu.memory_space<hbm>>
      tpu.enqueue_dma source(%arg8 : memref<64x6xf32, #tpu.memory_space<vmem>>) target(%dma_start3A_339 : memref<64x6xf32, #tpu.memory_space<hbm>>) target_semaphore(%run_scoped3A : memref<!tpu.dma_semaphore, #tpu.memory_space<semaphore_mem>>)
      %dma_wait3A_340 = arith.constant 0 : i32
      %dma_wait3A_341 = arith.constant 0 : i32
      %dma_wait3A_342 = tpu.memref_slice %arg5[%add3A, %dma_wait3A_340, %dma_wait3A_341] : memref<32x64x6xf32, #tpu.memory_space<hbm>> -> memref<1x64x6xf32, #tpu.memory_space<hbm>>
      %dma_wait3A_343 = tpu.memref_squeeze %dma_wait3A_342 : memref<1x64x6xf32, #tpu.memory_space<hbm>> -> memref<64x6xf32, #tpu.memory_space<hbm>>
      %dma_wait3A_344 = arith.constant 0 : i32
      %dma_wait3A_345 = arith.constant 0 : i32
      %dma_wait3A_346 = tpu.memref_slice %arg5[%add3A, %dma_wait3A_344, %dma_wait3A_345] : memref<32x64x6xf32, #tpu.memory_space<hbm>> -> memref<1x64x6xf32, #tpu.memory_space<hbm>>
      %dma_wait3A_347 = tpu.memref_squeeze %dma_wait3A_346 : memref<1x64x6xf32, #tpu.memory_space<hbm>> -> memref<64x6xf32, #tpu.memory_space<hbm>>
      tpu.wait_dma2 semaphore(%run_scoped3A : memref<!tpu.dma_semaphore, #tpu.memory_space<semaphore_mem>>) src(%arg8 : memref<64x6xf32, #tpu.memory_space<vmem>>) dst(%dma_wait3A_347 : memref<64x6xf32, #tpu.memory_space<hbm>>)
      tpu.yield
    }) : () -> ()
    return
  }
}

module attributes {stable_mosaic.version = 14 : i64} {
  func.func @_tc_kernel(%arg0: i32, %arg1: memref<2x64x6xf32, #tpu.memory_space<vmem>>, %arg2: memref<2x3x2048xf32, #tpu.memory_space<vmem>>, %arg3: memref<2x1x2048xf32, #tpu.memory_space<vmem>>, %arg4: memref<2x64x1xi32, #tpu.memory_space<vmem>>) attributes {dimension_semantics = [#tpu.dimension_semantics<arbitrary>], iteration_bounds = array<i64: 16>, scalar_prefetch = 0 : i64, scratch_operands = 0 : i64, tpu.core_type = #tpu.core_type<tc>, window_params = [{transform_indices = @transform_0, window_bounds = array<i64: 2, 64, 6>}, {transform_indices = @transform_1, window_bounds = array<i64: 2, 3, 2048>}, {transform_indices = @transform_2, window_bounds = array<i64: 2, 1, 2048>}, {transform_indices = @transform_3, window_bounds = array<i64: 2, 64, 1>}]} {
    %iota3A = tpu.iota {dimensions = array<i32: 1>} : vector<1x2048xi32>
    %and3A = arith.constant 127 : i32
    %and3A_0 = vector.broadcast %and3A : i32 to vector<1x2048xi32>
    %and3A_1 = arith.andi %iota3A, %and3A_0 : vector<1x2048xi32>
    %ne3A = arith.constant 127 : i32
    %ne3A_2 = vector.broadcast %ne3A : i32 to vector<1x2048xi32>
    %ne3A_3 = arith.cmpi ne, %and3A_1, %ne3A_2 : vector<1x2048xi32>
    %jit3A = arith.constant 1.000000e+00 : f32
    %jit3A_4 = arith.constant 0.000000e+00 : f32
    %broadcast_in_dim3A = vector.broadcast %jit3A : f32 to vector<1x2048xf32>
    %broadcast_in_dim3A_5 = vector.broadcast %jit3A_4 : f32 to vector<1x2048xf32>
    %select_n3A = arith.select %ne3A_3, %broadcast_in_dim3A, %broadcast_in_dim3A_5 : vector<1x2048xi1>, vector<1x2048xf32>
    %broadcast_in_dim3A_6 = arith.constant 0.000000e+00 : f32
    %broadcast_in_dim3A_7 = vector.broadcast %broadcast_in_dim3A_6 : f32 to vector<1x1xf32>
    %get3A = arith.constant 0 : index
    %get3A_8 = arith.constant 0 : index
    %get3A_9 = arith.constant 0 : index
    %get3A_10 = vector.load %arg1[%get3A, %get3A_8, %get3A_9] : memref<2x64x6xf32, #tpu.memory_space<vmem>>, vector<1x64x6xf32>
    %get3A_11 = vector.shape_cast %get3A_10 : vector<1x64x6xf32> to vector<64x6xf32>
    %slice3A = vector.extract_strided_slice %get3A_11 {offsets = [0, 0], sizes = [64, 3], strides = [1, 1]} : vector<64x6xf32> to vector<64x3xf32>
    %get3A_12 = arith.constant 0 : index
    %get3A_13 = arith.constant 0 : index
    %get3A_14 = arith.constant 0 : index
    %get3A_15 = vector.load %arg2[%get3A_12, %get3A_13, %get3A_14] : memref<2x3x2048xf32, #tpu.memory_space<vmem>>, vector<1x1x2048xf32>
    %get3A_16 = vector.shape_cast %get3A_15 : vector<1x1x2048xf32> to vector<1x2048xf32>
    %get3A_17 = arith.constant 0 : index
    %get3A_18 = arith.constant 1 : index
    %get3A_19 = arith.constant 0 : index
    %get3A_20 = vector.load %arg2[%get3A_17, %get3A_18, %get3A_19] : memref<2x3x2048xf32, #tpu.memory_space<vmem>>, vector<1x1x2048xf32>
    %get3A_21 = vector.shape_cast %get3A_20 : vector<1x1x2048xf32> to vector<1x2048xf32>
    %get3A_22 = arith.constant 0 : index
    %get3A_23 = arith.constant 2 : index
    %get3A_24 = arith.constant 0 : index
    %get3A_25 = vector.load %arg2[%get3A_22, %get3A_23, %get3A_24] : memref<2x3x2048xf32, #tpu.memory_space<vmem>>, vector<1x1x2048xf32>
    %get3A_26 = vector.shape_cast %get3A_25 : vector<1x1x2048xf32> to vector<1x2048xf32>
    %get3A_27 = arith.constant 0 : index
    %get3A_28 = arith.constant 0 : index
    %get3A_29 = arith.constant 0 : index
    %get3A_30 = vector.load %arg3[%get3A_27, %get3A_28, %get3A_29] : memref<2x1x2048xf32, #tpu.memory_space<vmem>>, vector<1x1x2048xf32>
    %get3A_31 = vector.shape_cast %get3A_30 : vector<1x1x2048xf32> to vector<1x2048xf32>
    %slice3A_32 = vector.extract_strided_slice %get3A_16 {offsets = [0, 1], sizes = [1, 2047], strides = [1, 1]} : vector<1x2048xf32> to vector<1x2047xf32>
    %concatenate3A = tpu.concatenate %slice3A_32, %broadcast_in_dim3A_7 in 1 : vector<1x2047xf32>, vector<1x1xf32> -> vector<1x2048xf32>
    %slice3A_33 = vector.extract_strided_slice %get3A_21 {offsets = [0, 1], sizes = [1, 2047], strides = [1, 1]} : vector<1x2048xf32> to vector<1x2047xf32>
    %concatenate3A_34 = tpu.concatenate %slice3A_33, %broadcast_in_dim3A_7 in 1 : vector<1x2047xf32>, vector<1x1xf32> -> vector<1x2048xf32>
    %slice3A_35 = vector.extract_strided_slice %get3A_26 {offsets = [0, 1], sizes = [1, 2047], strides = [1, 1]} : vector<1x2048xf32> to vector<1x2047xf32>
    %concatenate3A_36 = tpu.concatenate %slice3A_35, %broadcast_in_dim3A_7 in 1 : vector<1x2047xf32>, vector<1x1xf32> -> vector<1x2048xf32>
    %sub3A = arith.subf %concatenate3A, %get3A_16 : vector<1x2048xf32>
    %sub3A_37 = arith.subf %concatenate3A_34, %get3A_21 : vector<1x2048xf32>
    %sub3A_38 = arith.subf %concatenate3A_36, %get3A_26 : vector<1x2048xf32>
    %mul3A = arith.mulf %sub3A, %sub3A : vector<1x2048xf32>
    %mul3A_39 = arith.mulf %sub3A_37, %sub3A_37 : vector<1x2048xf32>
    %add3A = arith.addf %mul3A, %mul3A_39 : vector<1x2048xf32>
    %mul3A_40 = arith.mulf %sub3A_38, %sub3A_38 : vector<1x2048xf32>
    %add3A_41 = arith.addf %add3A, %mul3A_40 : vector<1x2048xf32>
    %max3A = arith.constant 9.99999996E-13 : f32
    %max3A_42 = vector.broadcast %max3A : f32 to vector<1x2048xf32>
    %max3A_43 = arith.maximumf %add3A_41, %max3A_42 : vector<1x2048xf32>
    %div3A = arith.constant 5.000000e-01 : f32
    %div3A_44 = vector.broadcast %div3A : f32 to vector<1x2048xf32>
    %div3A_45 = arith.divf %div3A_44, %max3A_43 : vector<1x2048xf32>
    %mul3A_46 = arith.mulf %get3A_16, %get3A_16 : vector<1x2048xf32>
    %mul3A_47 = arith.mulf %get3A_21, %get3A_21 : vector<1x2048xf32>
    %add3A_48 = arith.addf %mul3A_46, %mul3A_47 : vector<1x2048xf32>
    %mul3A_49 = arith.mulf %get3A_26, %get3A_26 : vector<1x2048xf32>
    %add3A_50 = arith.addf %add3A_48, %mul3A_49 : vector<1x2048xf32>
    %slice3A_51 = vector.extract_strided_slice %get3A_31 {offsets = [0, 1], sizes = [1, 2047], strides = [1, 1]} : vector<1x2048xf32> to vector<1x2047xf32>
    %concatenate3A_52 = tpu.concatenate %slice3A_51, %broadcast_in_dim3A_7 in 1 : vector<1x2047xf32>, vector<1x1xf32> -> vector<1x2048xf32>
    %mul3A_53 = arith.mulf %get3A_31, %concatenate3A_52 : vector<1x2048xf32>
    %mul3A_54 = arith.mulf %mul3A_53, %select_n3A : vector<1x2048xf32>
    %sub3A_55 = arith.constant 1.000000e+00 : f32
    %sub3A_56 = vector.broadcast %sub3A_55 : f32 to vector<1x2048xf32>
    %sub3A_57 = arith.subf %sub3A_56, %mul3A_54 : vector<1x2048xf32>
    %mul3A_58 = arith.constant 1.000000e+30 : f32
    %mul3A_59 = vector.broadcast %mul3A_58 : f32 to vector<1x2048xf32>
    %mul3A_60 = arith.mulf %sub3A_57, %mul3A_59 : vector<1x2048xf32>
    %concatenate3A_61 = tpu.concatenate %get3A_16, %get3A_21, %get3A_26 in 0 : vector<1x2048xf32>, vector<1x2048xf32>, vector<1x2048xf32> -> vector<3x2048xf32>
    %convert_element_type3A = arith.truncf %slice3A : vector<64x3xf32> to vector<64x3xbf16>
    %convert_element_type3A_62 = arith.extf %convert_element_type3A : vector<64x3xbf16> to vector<64x3xf32>
    %sub3A_63 = arith.subf %slice3A, %convert_element_type3A_62 : vector<64x3xf32>
    %convert_element_type3A_64 = arith.truncf %sub3A_63 : vector<64x3xf32> to vector<64x3xbf16>
    %convert_element_type3A_65 = arith.truncf %concatenate3A_61 : vector<3x2048xf32> to vector<3x2048xbf16>
    %convert_element_type3A_66 = arith.extf %convert_element_type3A_65 : vector<3x2048xbf16> to vector<3x2048xf32>
    %sub3A_67 = arith.subf %concatenate3A_61, %convert_element_type3A_66 : vector<3x2048xf32>
    %convert_element_type3A_68 = arith.truncf %sub3A_67 : vector<3x2048xf32> to vector<3x2048xbf16>
    %dot_general3A = arith.constant dense<0.000000e+00> : vector<64x2048xf32>
    %dot_general3A_69 = tpu.matmul %convert_element_type3A, %convert_element_type3A_65, %dot_general3A {dimension_numbers = #tpu.dot_dimension_numbers<[1], [0], [0], [1], [0, 0, 1, 1], [], []>, transpose_lhs_hint = false} : vector<64x3xbf16>, vector<3x2048xbf16>, vector<64x2048xf32> -> vector<64x2048xf32>
    %dot_general3A_70 = arith.constant dense<0.000000e+00> : vector<64x2048xf32>
    %dot_general3A_71 = tpu.matmul %convert_element_type3A_64, %convert_element_type3A_68, %dot_general3A_70 {dimension_numbers = #tpu.dot_dimension_numbers<[1], [0], [0], [1], [0, 0, 1, 1], [], []>, transpose_lhs_hint = false} : vector<64x3xbf16>, vector<3x2048xbf16>, vector<64x2048xf32> -> vector<64x2048xf32>
    %add3A_72 = arith.addf %dot_general3A_69, %dot_general3A_71 : vector<64x2048xf32>
    %dot_general3A_73 = arith.constant dense<0.000000e+00> : vector<64x2048xf32>
    %dot_general3A_74 = tpu.matmul %convert_element_type3A, %convert_element_type3A_68, %dot_general3A_73 {dimension_numbers = #tpu.dot_dimension_numbers<[1], [0], [0], [1], [0, 0, 1, 1], [], []>, transpose_lhs_hint = false} : vector<64x3xbf16>, vector<3x2048xbf16>, vector<64x2048xf32> -> vector<64x2048xf32>
    %dot_general3A_75 = arith.constant dense<0.000000e+00> : vector<64x2048xf32>
    %dot_general3A_76 = tpu.matmul %convert_element_type3A_64, %convert_element_type3A_65, %dot_general3A_75 {dimension_numbers = #tpu.dot_dimension_numbers<[1], [0], [0], [1], [0, 0, 1, 1], [], []>, transpose_lhs_hint = false} : vector<64x3xbf16>, vector<3x2048xbf16>, vector<64x2048xf32> -> vector<64x2048xf32>
    %add3A_77 = arith.addf %dot_general3A_74, %dot_general3A_76 : vector<64x2048xf32>
    %add3A_78 = arith.addf %add3A_72, %add3A_77 : vector<64x2048xf32>
    %add3A_79 = arith.addf %add3A_78, %add3A_78 : vector<64x2048xf32>
    %sub3A_80 = vector.broadcast %add3A_50 : vector<1x2048xf32> to vector<64x2048xf32>
    %sub3A_81 = arith.subf %sub3A_80, %add3A_79 : vector<64x2048xf32>
    %slice3A_82 = vector.extract_strided_slice %sub3A_81 {offsets = [0, 1], sizes = [64, 2047], strides = [1, 1]} : vector<64x2048xf32> to vector<64x2047xf32>
    %broadcast_in_dim3A_83 = arith.constant 0.000000e+00 : f32
    %broadcast_in_dim3A_84 = vector.broadcast %broadcast_in_dim3A_83 : f32 to vector<64x1xf32>
    %concatenate3A_85 = tpu.concatenate %slice3A_82, %broadcast_in_dim3A_84 in 1 : vector<64x2047xf32>, vector<64x1xf32> -> vector<64x2048xf32>
    %sub3A_86 = arith.subf %sub3A_81, %concatenate3A_85 : vector<64x2048xf32>
    %mul3A_87 = vector.broadcast %div3A_45 : vector<1x2048xf32> to vector<64x2048xf32>
    %mul3A_88 = arith.mulf %sub3A_86, %mul3A_87 : vector<64x2048xf32>
    %add3A_89 = arith.constant 5.000000e-01 : f32
    %add3A_90 = vector.broadcast %add3A_89 : f32 to vector<64x2048xf32>
    %add3A_91 = arith.addf %mul3A_88, %add3A_90 : vector<64x2048xf32>
    %jit3A_92 = arith.constant 0.000000e+00 : f32
    %jit3A_93 = arith.constant 1.000000e+00 : f32
    %max3A_94 = vector.broadcast %jit3A_92 : f32 to vector<64x2048xf32>
    %max3A_95 = arith.maximumf %max3A_94, %add3A_91 : vector<64x2048xf32>
    %min3A = vector.broadcast %jit3A_93 : f32 to vector<64x2048xf32>
    %min3A_96 = arith.minimumf %min3A, %max3A_95 : vector<64x2048xf32>
    %sub3A_97 = arith.subf %min3A_96, %add3A_91 : vector<64x2048xf32>
    %sub3A_98 = arith.subf %sub3A_97, %add3A_91 : vector<64x2048xf32>
    %mul3A_99 = arith.mulf %min3A_96, %sub3A_98 : vector<64x2048xf32>
    %mul3A_100 = vector.broadcast %max3A_43 : vector<1x2048xf32> to vector<64x2048xf32>
    %mul3A_101 = arith.mulf %mul3A_100, %mul3A_99 : vector<64x2048xf32>
    %add3A_102 = arith.addf %sub3A_81, %mul3A_101 : vector<64x2048xf32>
    %add3A_103 = vector.broadcast %mul3A_60 : vector<1x2048xf32> to vector<64x2048xf32>
    %add3A_104 = arith.addf %add3A_102, %add3A_103 : vector<64x2048xf32>
    %argmin3A = tpu.reduce_index %add3A_104 {axis = 1 : i32, kind = #tpu.reduction_kind<arg_min>} : vector<64x2048xf32> -> vector<64xi32>
    %gt3A = arith.constant 0.000000e+00 : f32
    %gt3A_105 = vector.broadcast %gt3A : f32 to vector<1x2048xf32>
    %gt3A_106 = arith.cmpf ogt, %mul3A_54, %gt3A_105 : vector<1x2048xf32>
    %reduce_or3A = arith.constant 1.000000e+00 : f32
    %reduce_or3A_107 = arith.constant 0.000000e+00 : f32
    %reduce_or3A_108 = vector.broadcast %reduce_or3A : f32 to vector<1x2048xf32>
    %reduce_or3A_109 = vector.broadcast %reduce_or3A_107 : f32 to vector<1x2048xf32>
    %reduce_or3A_110 = arith.select %gt3A_106, %reduce_or3A_108, %reduce_or3A_109 : vector<1x2048xi1>, vector<1x2048xf32>
    %reduce_or3A_111 = vector.shape_cast %reduce_or3A_110 : vector<1x2048xf32> to vector<1x1x2048xf32>
    %reduce_or3A_112 = arith.constant dense<0xFF800000> : vector<1xf32>
    %reduce_or3A_113 = vector.multi_reduction <maximumf>, %reduce_or3A_111, %reduce_or3A_112 [1, 2] : vector<1x1x2048xf32> to vector<1xf32>
    %reduce_or3A_114 = vector.shape_cast %reduce_or3A_113 : vector<1xf32> to vector<1x1x1xf32>
    %reduce_or3A_115 = vector.extract %reduce_or3A_114[0, 0, 0] : f32 from vector<1x1x1xf32>
    %reduce_or3A_116 = arith.constant 0.000000e+00 : f32
    %reduce_or3A_117 = arith.cmpf ogt, %reduce_or3A_115, %reduce_or3A_116 : f32
    %jit3A_118 = arith.constant -1 : i32
    %broadcast_in_dim3A_119 = vector.broadcast %jit3A_118 : i32 to vector<64xi32>
    %select_n3A_120 = arith.select %reduce_or3A_117, %argmin3A, %broadcast_in_dim3A_119 : vector<64xi32>
    %broadcast_in_dim3A_121 = vector.shape_cast %select_n3A_120 : vector<64xi32> to vector<64x1xi32>
    %swap3A = arith.constant 0 : index
    %swap3A_122 = arith.constant 0 : index
    %swap3A_123 = arith.constant 0 : index
    %swap3A_124 = vector.load %arg4[%swap3A, %swap3A_122, %swap3A_123] : memref<2x64x1xi32, #tpu.memory_space<vmem>>, vector<1x64x1xi32>
    %swap3A_125 = vector.shape_cast %swap3A_124 : vector<1x64x1xi32> to vector<64x1xi32>
    %swap3A_126 = vector.shape_cast %broadcast_in_dim3A_121 : vector<64x1xi32> to vector<1x64x1xi32>
    tpu.vector_store %arg4[%swap3A, %swap3A_122, %swap3A_123], %swap3A_126 {strides = array<i32>} : memref<2x64x1xi32, #tpu.memory_space<vmem>>, vector<1x64x1xi32>,
    %get3A_127 = arith.constant 1 : index
    %get3A_128 = arith.constant 0 : index
    %get3A_129 = arith.constant 0 : index
    %get3A_130 = vector.load %arg1[%get3A_127, %get3A_128, %get3A_129] : memref<2x64x6xf32, #tpu.memory_space<vmem>>, vector<1x64x6xf32>
    %get3A_131 = vector.shape_cast %get3A_130 : vector<1x64x6xf32> to vector<64x6xf32>
    %slice3A_132 = vector.extract_strided_slice %get3A_131 {offsets = [0, 0], sizes = [64, 3], strides = [1, 1]} : vector<64x6xf32> to vector<64x3xf32>
    %get3A_133 = arith.constant 1 : index
    %get3A_134 = arith.constant 0 : index
    %get3A_135 = arith.constant 0 : index
    %get3A_136 = vector.load %arg2[%get3A_133, %get3A_134, %get3A_135] : memref<2x3x2048xf32, #tpu.memory_space<vmem>>, vector<1x1x2048xf32>
    %get3A_137 = vector.shape_cast %get3A_136 : vector<1x1x2048xf32> to vector<1x2048xf32>
    %get3A_138 = arith.constant 1 : index
    %get3A_139 = arith.constant 1 : index
    %get3A_140 = arith.constant 0 : index
    %get3A_141 = vector.load %arg2[%get3A_138, %get3A_139, %get3A_140] : memref<2x3x2048xf32, #tpu.memory_space<vmem>>, vector<1x1x2048xf32>
    %get3A_142 = vector.shape_cast %get3A_141 : vector<1x1x2048xf32> to vector<1x2048xf32>
    %get3A_143 = arith.constant 1 : index
    %get3A_144 = arith.constant 2 : index
    %get3A_145 = arith.constant 0 : index
    %get3A_146 = vector.load %arg2[%get3A_143, %get3A_144, %get3A_145] : memref<2x3x2048xf32, #tpu.memory_space<vmem>>, vector<1x1x2048xf32>
    %get3A_147 = vector.shape_cast %get3A_146 : vector<1x1x2048xf32> to vector<1x2048xf32>
    %get3A_148 = arith.constant 1 : index
    %get3A_149 = arith.constant 0 : index
    %get3A_150 = arith.constant 0 : index
    %get3A_151 = vector.load %arg3[%get3A_148, %get3A_149, %get3A_150] : memref<2x1x2048xf32, #tpu.memory_space<vmem>>, vector<1x1x2048xf32>
    %get3A_152 = vector.shape_cast %get3A_151 : vector<1x1x2048xf32> to vector<1x2048xf32>
    %slice3A_153 = vector.extract_strided_slice %get3A_137 {offsets = [0, 1], sizes = [1, 2047], strides = [1, 1]} : vector<1x2048xf32> to vector<1x2047xf32>
    %concatenate3A_154 = tpu.concatenate %slice3A_153, %broadcast_in_dim3A_7 in 1 : vector<1x2047xf32>, vector<1x1xf32> -> vector<1x2048xf32>
    %slice3A_155 = vector.extract_strided_slice %get3A_142 {offsets = [0, 1], sizes = [1, 2047], strides = [1, 1]} : vector<1x2048xf32> to vector<1x2047xf32>
    %concatenate3A_156 = tpu.concatenate %slice3A_155, %broadcast_in_dim3A_7 in 1 : vector<1x2047xf32>, vector<1x1xf32> -> vector<1x2048xf32>
    %slice3A_157 = vector.extract_strided_slice %get3A_147 {offsets = [0, 1], sizes = [1, 2047], strides = [1, 1]} : vector<1x2048xf32> to vector<1x2047xf32>
    %concatenate3A_158 = tpu.concatenate %slice3A_157, %broadcast_in_dim3A_7 in 1 : vector<1x2047xf32>, vector<1x1xf32> -> vector<1x2048xf32>
    %sub3A_159 = arith.subf %concatenate3A_154, %get3A_137 : vector<1x2048xf32>
    %sub3A_160 = arith.subf %concatenate3A_156, %get3A_142 : vector<1x2048xf32>
    %sub3A_161 = arith.subf %concatenate3A_158, %get3A_147 : vector<1x2048xf32>
    %mul3A_162 = arith.mulf %sub3A_159, %sub3A_159 : vector<1x2048xf32>
    %mul3A_163 = arith.mulf %sub3A_160, %sub3A_160 : vector<1x2048xf32>
    %add3A_164 = arith.addf %mul3A_162, %mul3A_163 : vector<1x2048xf32>
    %mul3A_165 = arith.mulf %sub3A_161, %sub3A_161 : vector<1x2048xf32>
    %add3A_166 = arith.addf %add3A_164, %mul3A_165 : vector<1x2048xf32>
    %max3A_167 = arith.constant 9.99999996E-13 : f32
    %max3A_168 = vector.broadcast %max3A_167 : f32 to vector<1x2048xf32>
    %max3A_169 = arith.maximumf %add3A_166, %max3A_168 : vector<1x2048xf32>
    %div3A_170 = arith.constant 5.000000e-01 : f32
    %div3A_171 = vector.broadcast %div3A_170 : f32 to vector<1x2048xf32>
    %div3A_172 = arith.divf %div3A_171, %max3A_169 : vector<1x2048xf32>
    %mul3A_173 = arith.mulf %get3A_137, %get3A_137 : vector<1x2048xf32>
    %mul3A_174 = arith.mulf %get3A_142, %get3A_142 : vector<1x2048xf32>
    %add3A_175 = arith.addf %mul3A_173, %mul3A_174 : vector<1x2048xf32>
    %mul3A_176 = arith.mulf %get3A_147, %get3A_147 : vector<1x2048xf32>
    %add3A_177 = arith.addf %add3A_175, %mul3A_176 : vector<1x2048xf32>
    %slice3A_178 = vector.extract_strided_slice %get3A_152 {offsets = [0, 1], sizes = [1, 2047], strides = [1, 1]} : vector<1x2048xf32> to vector<1x2047xf32>
    %concatenate3A_179 = tpu.concatenate %slice3A_178, %broadcast_in_dim3A_7 in 1 : vector<1x2047xf32>, vector<1x1xf32> -> vector<1x2048xf32>
    %mul3A_180 = arith.mulf %get3A_152, %concatenate3A_179 : vector<1x2048xf32>
    %mul3A_181 = arith.mulf %mul3A_180, %select_n3A : vector<1x2048xf32>
    %sub3A_182 = arith.constant 1.000000e+00 : f32
    %sub3A_183 = vector.broadcast %sub3A_182 : f32 to vector<1x2048xf32>
    %sub3A_184 = arith.subf %sub3A_183, %mul3A_181 : vector<1x2048xf32>
    %mul3A_185 = arith.constant 1.000000e+30 : f32
    %mul3A_186 = vector.broadcast %mul3A_185 : f32 to vector<1x2048xf32>
    %mul3A_187 = arith.mulf %sub3A_184, %mul3A_186 : vector<1x2048xf32>
    %concatenate3A_188 = tpu.concatenate %get3A_137, %get3A_142, %get3A_147 in 0 : vector<1x2048xf32>, vector<1x2048xf32>, vector<1x2048xf32> -> vector<3x2048xf32>
    %convert_element_type3A_189 = arith.truncf %slice3A_132 : vector<64x3xf32> to vector<64x3xbf16>
    %convert_element_type3A_190 = arith.extf %convert_element_type3A_189 : vector<64x3xbf16> to vector<64x3xf32>
    %sub3A_191 = arith.subf %slice3A_132, %convert_element_type3A_190 : vector<64x3xf32>
    %convert_element_type3A_192 = arith.truncf %sub3A_191 : vector<64x3xf32> to vector<64x3xbf16>
    %convert_element_type3A_193 = arith.truncf %concatenate3A_188 : vector<3x2048xf32> to vector<3x2048xbf16>
    %convert_element_type3A_194 = arith.extf %convert_element_type3A_193 : vector<3x2048xbf16> to vector<3x2048xf32>
    %sub3A_195 = arith.subf %concatenate3A_188, %convert_element_type3A_194 : vector<3x2048xf32>
    %convert_element_type3A_196 = arith.truncf %sub3A_195 : vector<3x2048xf32> to vector<3x2048xbf16>
    %dot_general3A_197 = arith.constant dense<0.000000e+00> : vector<64x2048xf32>
    %dot_general3A_198 = tpu.matmul %convert_element_type3A_189, %convert_element_type3A_193, %dot_general3A_197 {dimension_numbers = #tpu.dot_dimension_numbers<[1], [0], [0], [1], [0, 0, 1, 1], [], []>, transpose_lhs_hint = false} : vector<64x3xbf16>, vector<3x2048xbf16>, vector<64x2048xf32> -> vector<64x2048xf32>
    %dot_general3A_199 = arith.constant dense<0.000000e+00> : vector<64x2048xf32>
    %dot_general3A_200 = tpu.matmul %convert_element_type3A_192, %convert_element_type3A_196, %dot_general3A_199 {dimension_numbers = #tpu.dot_dimension_numbers<[1], [0], [0], [1], [0, 0, 1, 1], [], []>, transpose_lhs_hint = false} : vector<64x3xbf16>, vector<3x2048xbf16>, vector<64x2048xf32> -> vector<64x2048xf32>
    %add3A_201 = arith.addf %dot_general3A_198, %dot_general3A_200 : vector<64x2048xf32>
    %dot_general3A_202 = arith.constant dense<0.000000e+00> : vector<64x2048xf32>
    %dot_general3A_203 = tpu.matmul %convert_element_type3A_189, %convert_element_type3A_196, %dot_general3A_202 {dimension_numbers = #tpu.dot_dimension_numbers<[1], [0], [0], [1], [0, 0, 1, 1], [], []>, transpose_lhs_hint = false} : vector<64x3xbf16>, vector<3x2048xbf16>, vector<64x2048xf32> -> vector<64x2048xf32>
    %dot_general3A_204 = arith.constant dense<0.000000e+00> : vector<64x2048xf32>
    %dot_general3A_205 = tpu.matmul %convert_element_type3A_192, %convert_element_type3A_193, %dot_general3A_204 {dimension_numbers = #tpu.dot_dimension_numbers<[1], [0], [0], [1], [0, 0, 1, 1], [], []>, transpose_lhs_hint = false} : vector<64x3xbf16>, vector<3x2048xbf16>, vector<64x2048xf32> -> vector<64x2048xf32>
    %add3A_206 = arith.addf %dot_general3A_203, %dot_general3A_205 : vector<64x2048xf32>
    %add3A_207 = arith.addf %add3A_201, %add3A_206 : vector<64x2048xf32>
    %add3A_208 = arith.addf %add3A_207, %add3A_207 : vector<64x2048xf32>
    %sub3A_209 = vector.broadcast %add3A_177 : vector<1x2048xf32> to vector<64x2048xf32>
    %sub3A_210 = arith.subf %sub3A_209, %add3A_208 : vector<64x2048xf32>
    %slice3A_211 = vector.extract_strided_slice %sub3A_210 {offsets = [0, 1], sizes = [64, 2047], strides = [1, 1]} : vector<64x2048xf32> to vector<64x2047xf32>
    %broadcast_in_dim3A_212 = arith.constant 0.000000e+00 : f32
    %broadcast_in_dim3A_213 = vector.broadcast %broadcast_in_dim3A_212 : f32 to vector<64x1xf32>
    %concatenate3A_214 = tpu.concatenate %slice3A_211, %broadcast_in_dim3A_213 in 1 : vector<64x2047xf32>, vector<64x1xf32> -> vector<64x2048xf32>
    %sub3A_215 = arith.subf %sub3A_210, %concatenate3A_214 : vector<64x2048xf32>
    %mul3A_216 = vector.broadcast %div3A_172 : vector<1x2048xf32> to vector<64x2048xf32>
    %mul3A_217 = arith.mulf %sub3A_215, %mul3A_216 : vector<64x2048xf32>
    %add3A_218 = arith.constant 5.000000e-01 : f32
    %add3A_219 = vector.broadcast %add3A_218 : f32 to vector<64x2048xf32>
    %add3A_220 = arith.addf %mul3A_217, %add3A_219 : vector<64x2048xf32>
    %jit3A_221 = arith.constant 0.000000e+00 : f32
    %jit3A_222 = arith.constant 1.000000e+00 : f32
    %max3A_223 = vector.broadcast %jit3A_221 : f32 to vector<64x2048xf32>
    %max3A_224 = arith.maximumf %max3A_223, %add3A_220 : vector<64x2048xf32>
    %min3A_225 = vector.broadcast %jit3A_222 : f32 to vector<64x2048xf32>
    %min3A_226 = arith.minimumf %min3A_225, %max3A_224 : vector<64x2048xf32>
    %sub3A_227 = arith.subf %min3A_226, %add3A_220 : vector<64x2048xf32>
    %sub3A_228 = arith.subf %sub3A_227, %add3A_220 : vector<64x2048xf32>
    %mul3A_229 = arith.mulf %min3A_226, %sub3A_228 : vector<64x2048xf32>
    %mul3A_230 = vector.broadcast %max3A_169 : vector<1x2048xf32> to vector<64x2048xf32>
    %mul3A_231 = arith.mulf %mul3A_230, %mul3A_229 : vector<64x2048xf32>
    %add3A_232 = arith.addf %sub3A_210, %mul3A_231 : vector<64x2048xf32>
    %add3A_233 = vector.broadcast %mul3A_187 : vector<1x2048xf32> to vector<64x2048xf32>
    %add3A_234 = arith.addf %add3A_232, %add3A_233 : vector<64x2048xf32>
    %argmin3A_235 = tpu.reduce_index %add3A_234 {axis = 1 : i32, kind = #tpu.reduction_kind<arg_min>} : vector<64x2048xf32> -> vector<64xi32>
    %gt3A_236 = arith.constant 0.000000e+00 : f32
    %gt3A_237 = vector.broadcast %gt3A_236 : f32 to vector<1x2048xf32>
    %gt3A_238 = arith.cmpf ogt, %mul3A_181, %gt3A_237 : vector<1x2048xf32>
    %reduce_or3A_239 = arith.constant 1.000000e+00 : f32
    %reduce_or3A_240 = arith.constant 0.000000e+00 : f32
    %reduce_or3A_241 = vector.broadcast %reduce_or3A_239 : f32 to vector<1x2048xf32>
    %reduce_or3A_242 = vector.broadcast %reduce_or3A_240 : f32 to vector<1x2048xf32>
    %reduce_or3A_243 = arith.select %gt3A_238, %reduce_or3A_241, %reduce_or3A_242 : vector<1x2048xi1>, vector<1x2048xf32>
    %reduce_or3A_244 = vector.shape_cast %reduce_or3A_243 : vector<1x2048xf32> to vector<1x1x2048xf32>
    %reduce_or3A_245 = arith.constant dense<0xFF800000> : vector<1xf32>
    %reduce_or3A_246 = vector.multi_reduction <maximumf>, %reduce_or3A_244, %reduce_or3A_245 [1, 2] : vector<1x1x2048xf32> to vector<1xf32>
    %reduce_or3A_247 = vector.shape_cast %reduce_or3A_246 : vector<1xf32> to vector<1x1x1xf32>
    %reduce_or3A_248 = vector.extract %reduce_or3A_247[0, 0, 0] : f32 from vector<1x1x1xf32>
    %reduce_or3A_249 = arith.constant 0.000000e+00 : f32
    %reduce_or3A_250 = arith.cmpf ogt, %reduce_or3A_248, %reduce_or3A_249 : f32
    %jit3A_251 = arith.constant -1 : i32
    %broadcast_in_dim3A_252 = vector.broadcast %jit3A_251 : i32 to vector<64xi32>
    %select_n3A_253 = arith.select %reduce_or3A_250, %argmin3A_235, %broadcast_in_dim3A_252 : vector<64xi32>
    %broadcast_in_dim3A_254 = vector.shape_cast %select_n3A_253 : vector<64xi32> to vector<64x1xi32>
    %swap3A_255 = arith.constant 1 : index
    %swap3A_256 = arith.constant 0 : index
    %swap3A_257 = arith.constant 0 : index
    %swap3A_258 = vector.load %arg4[%swap3A_255, %swap3A_256, %swap3A_257] : memref<2x64x1xi32, #tpu.memory_space<vmem>>, vector<1x64x1xi32>
    %swap3A_259 = vector.shape_cast %swap3A_258 : vector<1x64x1xi32> to vector<64x1xi32>
    %swap3A_260 = vector.shape_cast %broadcast_in_dim3A_254 : vector<64x1xi32> to vector<1x64x1xi32>
    tpu.vector_store %arg4[%swap3A_255, %swap3A_256, %swap3A_257], %swap3A_260 {strides = array<i32>} : memref<2x64x1xi32, #tpu.memory_space<vmem>>, vector<1x64x1xi32>,
    return
  }
  func.func @transform_0(%arg0: i32) -> (i32, i32, i32) {
    %add3A = arith.constant 0 : i32
    %add3A_0 = arith.addi %arg0, %add3A : i32
    %c0_i32 = arith.constant 0 : i32
    %c0_i32_1 = arith.constant 0 : i32
    %c0_i32_2 = arith.constant 0 : i32
    return %add3A_0, %c0_i32, %c0_i32_1 : i32, i32, i32
  }
  func.func @transform_1(%arg0: i32) -> (i32, i32, i32) {
    %add3A = arith.constant 0 : i32
    %add3A_0 = arith.addi %arg0, %add3A : i32
    %c0_i32 = arith.constant 0 : i32
    %c0_i32_1 = arith.constant 0 : i32
    %c0_i32_2 = arith.constant 0 : i32
    return %add3A_0, %c0_i32, %c0_i32_1 : i32, i32, i32
  }
  func.func @transform_2(%arg0: i32) -> (i32, i32, i32) {
    %add3A = arith.constant 0 : i32
    %add3A_0 = arith.addi %arg0, %add3A : i32
    %c0_i32 = arith.constant 0 : i32
    %c0_i32_1 = arith.constant 0 : i32
    %c0_i32_2 = arith.constant 0 : i32
    return %add3A_0, %c0_i32, %c0_i32_1 : i32, i32, i32
  }
  func.func @transform_3(%arg0: i32) -> (i32, i32, i32) {
    %c0_i32 = arith.constant 0 : i32
    %c0_i32_0 = arith.constant 0 : i32
    %c0_i32_1 = arith.constant 0 : i32
    return %arg0, %c0_i32, %c0_i32_0 : i32, i32, i32
  }
}

module attributes {stable_mosaic.version = 14 : i64} {
  func.func @_tc_kernel(%arg0: i32, %arg1: memref<2x64x6xf32, #tpu.memory_space<vmem>>, %arg2: memref<2x3x2048xf32, #tpu.memory_space<vmem>>, %arg3: memref<2x1x2048xf32, #tpu.memory_space<vmem>>, %arg4: memref<2x64x1xi32, #tpu.memory_space<vmem>>) attributes {dimension_semantics = [#tpu.dimension_semantics<arbitrary>], iteration_bounds = array<i64: 16>, scalar_prefetch = 0 : i64, scratch_operands = 0 : i64, tpu.core_type = #tpu.core_type<tc>, window_params = [{transform_indices = @transform_0, window_bounds = array<i64: 2, 64, 6>}, {transform_indices = @transform_1, window_bounds = array<i64: 2, 3, 2048>}, {transform_indices = @transform_2, window_bounds = array<i64: 2, 1, 2048>}, {transform_indices = @transform_3, window_bounds = array<i64: 2, 64, 1>}]} {
    %iota3A = tpu.iota {dimensions = array<i32: 1>} : vector<1x2048xi32>
    %and3A = arith.constant 127 : i32
    %and3A_0 = vector.broadcast %and3A : i32 to vector<1x2048xi32>
    %and3A_1 = arith.andi %iota3A, %and3A_0 : vector<1x2048xi32>
    %ne3A = arith.constant 127 : i32
    %ne3A_2 = vector.broadcast %ne3A : i32 to vector<1x2048xi32>
    %ne3A_3 = arith.cmpi ne, %and3A_1, %ne3A_2 : vector<1x2048xi32>
    %jit3A = arith.constant 1.000000e+00 : f32
    %jit3A_4 = arith.constant 0.000000e+00 : f32
    %broadcast_in_dim3A = vector.broadcast %jit3A : f32 to vector<1x2048xf32>
    %broadcast_in_dim3A_5 = vector.broadcast %jit3A_4 : f32 to vector<1x2048xf32>
    %select_n3A = arith.select %ne3A_3, %broadcast_in_dim3A, %broadcast_in_dim3A_5 : vector<1x2048xi1>, vector<1x2048xf32>
    %broadcast_in_dim3A_6 = arith.constant 0.000000e+00 : f32
    %broadcast_in_dim3A_7 = vector.broadcast %broadcast_in_dim3A_6 : f32 to vector<1x1xf32>
    %get3A = arith.constant 0 : index
    %get3A_8 = arith.constant 0 : index
    %get3A_9 = arith.constant 0 : index
    %get3A_10 = vector.load %arg1[%get3A, %get3A_8, %get3A_9] : memref<2x64x6xf32, #tpu.memory_space<vmem>>, vector<1x64x6xf32>
    %get3A_11 = vector.shape_cast %get3A_10 : vector<1x64x6xf32> to vector<64x6xf32>
    %slice3A = vector.extract_strided_slice %get3A_11 {offsets = [0, 0], sizes = [64, 3], strides = [1, 1]} : vector<64x6xf32> to vector<64x3xf32>
    %get3A_12 = arith.constant 0 : index
    %get3A_13 = arith.constant 0 : index
    %get3A_14 = arith.constant 0 : index
    %get3A_15 = vector.load %arg2[%get3A_12, %get3A_13, %get3A_14] : memref<2x3x2048xf32, #tpu.memory_space<vmem>>, vector<1x1x2048xf32>
    %get3A_16 = vector.shape_cast %get3A_15 : vector<1x1x2048xf32> to vector<1x2048xf32>
    %get3A_17 = arith.constant 0 : index
    %get3A_18 = arith.constant 1 : index
    %get3A_19 = arith.constant 0 : index
    %get3A_20 = vector.load %arg2[%get3A_17, %get3A_18, %get3A_19] : memref<2x3x2048xf32, #tpu.memory_space<vmem>>, vector<1x1x2048xf32>
    %get3A_21 = vector.shape_cast %get3A_20 : vector<1x1x2048xf32> to vector<1x2048xf32>
    %get3A_22 = arith.constant 0 : index
    %get3A_23 = arith.constant 2 : index
    %get3A_24 = arith.constant 0 : index
    %get3A_25 = vector.load %arg2[%get3A_22, %get3A_23, %get3A_24] : memref<2x3x2048xf32, #tpu.memory_space<vmem>>, vector<1x1x2048xf32>
    %get3A_26 = vector.shape_cast %get3A_25 : vector<1x1x2048xf32> to vector<1x2048xf32>
    %get3A_27 = arith.constant 0 : index
    %get3A_28 = arith.constant 0 : index
    %get3A_29 = arith.constant 0 : index
    %get3A_30 = vector.load %arg3[%get3A_27, %get3A_28, %get3A_29] : memref<2x1x2048xf32, #tpu.memory_space<vmem>>, vector<1x1x2048xf32>
    %get3A_31 = vector.shape_cast %get3A_30 : vector<1x1x2048xf32> to vector<1x2048xf32>
    %slice3A_32 = vector.extract_strided_slice %get3A_16 {offsets = [0, 1], sizes = [1, 2047], strides = [1, 1]} : vector<1x2048xf32> to vector<1x2047xf32>
    %concatenate3A = tpu.concatenate %slice3A_32, %broadcast_in_dim3A_7 in 1 : vector<1x2047xf32>, vector<1x1xf32> -> vector<1x2048xf32>
    %slice3A_33 = vector.extract_strided_slice %get3A_21 {offsets = [0, 1], sizes = [1, 2047], strides = [1, 1]} : vector<1x2048xf32> to vector<1x2047xf32>
    %concatenate3A_34 = tpu.concatenate %slice3A_33, %broadcast_in_dim3A_7 in 1 : vector<1x2047xf32>, vector<1x1xf32> -> vector<1x2048xf32>
    %slice3A_35 = vector.extract_strided_slice %get3A_26 {offsets = [0, 1], sizes = [1, 2047], strides = [1, 1]} : vector<1x2048xf32> to vector<1x2047xf32>
    %concatenate3A_36 = tpu.concatenate %slice3A_35, %broadcast_in_dim3A_7 in 1 : vector<1x2047xf32>, vector<1x1xf32> -> vector<1x2048xf32>
    %sub3A = arith.subf %concatenate3A, %get3A_16 : vector<1x2048xf32>
    %sub3A_37 = arith.subf %concatenate3A_34, %get3A_21 : vector<1x2048xf32>
    %sub3A_38 = arith.subf %concatenate3A_36, %get3A_26 : vector<1x2048xf32>
    %mul3A = arith.mulf %sub3A, %sub3A : vector<1x2048xf32>
    %mul3A_39 = arith.mulf %sub3A_37, %sub3A_37 : vector<1x2048xf32>
    %add3A = arith.addf %mul3A, %mul3A_39 : vector<1x2048xf32>
    %mul3A_40 = arith.mulf %sub3A_38, %sub3A_38 : vector<1x2048xf32>
    %add3A_41 = arith.addf %add3A, %mul3A_40 : vector<1x2048xf32>
    %max3A = arith.constant 9.99999996E-13 : f32
    %max3A_42 = vector.broadcast %max3A : f32 to vector<1x2048xf32>
    %max3A_43 = arith.maximumf %add3A_41, %max3A_42 : vector<1x2048xf32>
    %div3A = arith.constant 5.000000e-01 : f32
    %div3A_44 = vector.broadcast %div3A : f32 to vector<1x2048xf32>
    %div3A_45 = arith.divf %div3A_44, %max3A_43 : vector<1x2048xf32>
    %mul3A_46 = arith.mulf %get3A_16, %get3A_16 : vector<1x2048xf32>
    %mul3A_47 = arith.mulf %get3A_21, %get3A_21 : vector<1x2048xf32>
    %add3A_48 = arith.addf %mul3A_46, %mul3A_47 : vector<1x2048xf32>
    %mul3A_49 = arith.mulf %get3A_26, %get3A_26 : vector<1x2048xf32>
    %add3A_50 = arith.addf %add3A_48, %mul3A_49 : vector<1x2048xf32>
    %slice3A_51 = vector.extract_strided_slice %get3A_31 {offsets = [0, 1], sizes = [1, 2047], strides = [1, 1]} : vector<1x2048xf32> to vector<1x2047xf32>
    %concatenate3A_52 = tpu.concatenate %slice3A_51, %broadcast_in_dim3A_7 in 1 : vector<1x2047xf32>, vector<1x1xf32> -> vector<1x2048xf32>
    %mul3A_53 = arith.mulf %get3A_31, %concatenate3A_52 : vector<1x2048xf32>
    %mul3A_54 = arith.mulf %mul3A_53, %select_n3A : vector<1x2048xf32>
    %sub3A_55 = arith.constant 1.000000e+00 : f32
    %sub3A_56 = vector.broadcast %sub3A_55 : f32 to vector<1x2048xf32>
    %sub3A_57 = arith.subf %sub3A_56, %mul3A_54 : vector<1x2048xf32>
    %mul3A_58 = arith.constant 1.000000e+30 : f32
    %mul3A_59 = vector.broadcast %mul3A_58 : f32 to vector<1x2048xf32>
    %mul3A_60 = arith.mulf %sub3A_57, %mul3A_59 : vector<1x2048xf32>
    %concatenate3A_61 = tpu.concatenate %get3A_16, %get3A_21, %get3A_26 in 0 : vector<1x2048xf32>, vector<1x2048xf32>, vector<1x2048xf32> -> vector<3x2048xf32>
    %convert_element_type3A = arith.truncf %slice3A : vector<64x3xf32> to vector<64x3xbf16>
    %convert_element_type3A_62 = arith.extf %convert_element_type3A : vector<64x3xbf16> to vector<64x3xf32>
    %sub3A_63 = arith.subf %slice3A, %convert_element_type3A_62 : vector<64x3xf32>
    %convert_element_type3A_64 = arith.truncf %sub3A_63 : vector<64x3xf32> to vector<64x3xbf16>
    %convert_element_type3A_65 = arith.truncf %concatenate3A_61 : vector<3x2048xf32> to vector<3x2048xbf16>
    %convert_element_type3A_66 = arith.extf %convert_element_type3A_65 : vector<3x2048xbf16> to vector<3x2048xf32>
    %sub3A_67 = arith.subf %concatenate3A_61, %convert_element_type3A_66 : vector<3x2048xf32>
    %convert_element_type3A_68 = arith.truncf %sub3A_67 : vector<3x2048xf32> to vector<3x2048xbf16>
    %dot_general3A = arith.constant dense<0.000000e+00> : vector<64x2048xf32>
    %dot_general3A_69 = tpu.matmul %convert_element_type3A, %convert_element_type3A_65, %dot_general3A {dimension_numbers = #tpu.dot_dimension_numbers<[1], [0], [0], [1], [0, 0, 1, 1], [], []>, transpose_lhs_hint = false} : vector<64x3xbf16>, vector<3x2048xbf16>, vector<64x2048xf32> -> vector<64x2048xf32>
    %dot_general3A_70 = arith.constant dense<0.000000e+00> : vector<64x2048xf32>
    %dot_general3A_71 = tpu.matmul %convert_element_type3A_64, %convert_element_type3A_68, %dot_general3A_70 {dimension_numbers = #tpu.dot_dimension_numbers<[1], [0], [0], [1], [0, 0, 1, 1], [], []>, transpose_lhs_hint = false} : vector<64x3xbf16>, vector<3x2048xbf16>, vector<64x2048xf32> -> vector<64x2048xf32>
    %add3A_72 = arith.addf %dot_general3A_69, %dot_general3A_71 : vector<64x2048xf32>
    %dot_general3A_73 = arith.constant dense<0.000000e+00> : vector<64x2048xf32>
    %dot_general3A_74 = tpu.matmul %convert_element_type3A, %convert_element_type3A_68, %dot_general3A_73 {dimension_numbers = #tpu.dot_dimension_numbers<[1], [0], [0], [1], [0, 0, 1, 1], [], []>, transpose_lhs_hint = false} : vector<64x3xbf16>, vector<3x2048xbf16>, vector<64x2048xf32> -> vector<64x2048xf32>
    %dot_general3A_75 = arith.constant dense<0.000000e+00> : vector<64x2048xf32>
    %dot_general3A_76 = tpu.matmul %convert_element_type3A_64, %convert_element_type3A_65, %dot_general3A_75 {dimension_numbers = #tpu.dot_dimension_numbers<[1], [0], [0], [1], [0, 0, 1, 1], [], []>, transpose_lhs_hint = false} : vector<64x3xbf16>, vector<3x2048xbf16>, vector<64x2048xf32> -> vector<64x2048xf32>
    %add3A_77 = arith.addf %dot_general3A_74, %dot_general3A_76 : vector<64x2048xf32>
    %add3A_78 = arith.addf %add3A_72, %add3A_77 : vector<64x2048xf32>
    %add3A_79 = arith.addf %add3A_78, %add3A_78 : vector<64x2048xf32>
    %sub3A_80 = vector.broadcast %add3A_50 : vector<1x2048xf32> to vector<64x2048xf32>
    %sub3A_81 = arith.subf %sub3A_80, %add3A_79 : vector<64x2048xf32>
    %slice3A_82 = vector.extract_strided_slice %sub3A_81 {offsets = [0, 1], sizes = [64, 2047], strides = [1, 1]} : vector<64x2048xf32> to vector<64x2047xf32>
    %broadcast_in_dim3A_83 = arith.constant 0.000000e+00 : f32
    %broadcast_in_dim3A_84 = vector.broadcast %broadcast_in_dim3A_83 : f32 to vector<64x1xf32>
    %concatenate3A_85 = tpu.concatenate %slice3A_82, %broadcast_in_dim3A_84 in 1 : vector<64x2047xf32>, vector<64x1xf32> -> vector<64x2048xf32>
    %sub3A_86 = arith.subf %sub3A_81, %concatenate3A_85 : vector<64x2048xf32>
    %mul3A_87 = vector.broadcast %div3A_45 : vector<1x2048xf32> to vector<64x2048xf32>
    %mul3A_88 = arith.mulf %sub3A_86, %mul3A_87 : vector<64x2048xf32>
    %add3A_89 = arith.constant 5.000000e-01 : f32
    %add3A_90 = vector.broadcast %add3A_89 : f32 to vector<64x2048xf32>
    %add3A_91 = arith.addf %mul3A_88, %add3A_90 : vector<64x2048xf32>
    %jit3A_92 = arith.constant 0.000000e+00 : f32
    %jit3A_93 = arith.constant 1.000000e+00 : f32
    %max3A_94 = vector.broadcast %jit3A_92 : f32 to vector<64x2048xf32>
    %max3A_95 = arith.maximumf %max3A_94, %add3A_91 : vector<64x2048xf32>
    %min3A = vector.broadcast %jit3A_93 : f32 to vector<64x2048xf32>
    %min3A_96 = arith.minimumf %min3A, %max3A_95 : vector<64x2048xf32>
    %sub3A_97 = arith.subf %min3A_96, %add3A_91 : vector<64x2048xf32>
    %sub3A_98 = arith.subf %sub3A_97, %add3A_91 : vector<64x2048xf32>
    %mul3A_99 = arith.mulf %min3A_96, %sub3A_98 : vector<64x2048xf32>
    %mul3A_100 = vector.broadcast %max3A_43 : vector<1x2048xf32> to vector<64x2048xf32>
    %mul3A_101 = arith.mulf %mul3A_100, %mul3A_99 : vector<64x2048xf32>
    %add3A_102 = arith.addf %sub3A_81, %mul3A_101 : vector<64x2048xf32>
    %add3A_103 = vector.broadcast %mul3A_60 : vector<1x2048xf32> to vector<64x2048xf32>
    %add3A_104 = arith.addf %add3A_102, %add3A_103 : vector<64x2048xf32>
    %argmin3A = tpu.reduce_index %add3A_104 {axis = 1 : i32, kind = #tpu.reduction_kind<arg_min>} : vector<64x2048xf32> -> vector<64xi32>
    %gt3A = arith.constant 0.000000e+00 : f32
    %gt3A_105 = vector.broadcast %gt3A : f32 to vector<1x2048xf32>
    %gt3A_106 = arith.cmpf ogt, %mul3A_54, %gt3A_105 : vector<1x2048xf32>
    %reduce_or3A = arith.constant 1.000000e+00 : f32
    %reduce_or3A_107 = arith.constant 0.000000e+00 : f32
    %reduce_or3A_108 = vector.broadcast %reduce_or3A : f32 to vector<1x2048xf32>
    %reduce_or3A_109 = vector.broadcast %reduce_or3A_107 : f32 to vector<1x2048xf32>
    %reduce_or3A_110 = arith.select %gt3A_106, %reduce_or3A_108, %reduce_or3A_109 : vector<1x2048xi1>, vector<1x2048xf32>
    %reduce_or3A_111 = vector.shape_cast %reduce_or3A_110 : vector<1x2048xf32> to vector<1x1x2048xf32>
    %reduce_or3A_112 = arith.constant dense<0xFF800000> : vector<1xf32>
    %reduce_or3A_113 = vector.multi_reduction <maximumf>, %reduce_or3A_111, %reduce_or3A_112 [1, 2] : vector<1x1x2048xf32> to vector<1xf32>
    %reduce_or3A_114 = vector.shape_cast %reduce_or3A_113 : vector<1xf32> to vector<1x1x1xf32>
    %reduce_or3A_115 = vector.extract %reduce_or3A_114[0, 0, 0] : f32 from vector<1x1x1xf32>
    %reduce_or3A_116 = arith.constant 0.000000e+00 : f32
    %reduce_or3A_117 = arith.cmpf ogt, %reduce_or3A_115, %reduce_or3A_116 : f32
    %jit3A_118 = arith.constant -1 : i32
    %broadcast_in_dim3A_119 = vector.broadcast %jit3A_118 : i32 to vector<64xi32>
    %select_n3A_120 = arith.select %reduce_or3A_117, %argmin3A, %broadcast_in_dim3A_119 : vector<64xi32>
    %broadcast_in_dim3A_121 = vector.shape_cast %select_n3A_120 : vector<64xi32> to vector<64x1xi32>
    %swap3A = arith.constant 0 : index
    %swap3A_122 = arith.constant 0 : index
    %swap3A_123 = arith.constant 0 : index
    %swap3A_124 = vector.load %arg4[%swap3A, %swap3A_122, %swap3A_123] : memref<2x64x1xi32, #tpu.memory_space<vmem>>, vector<1x64x1xi32>
    %swap3A_125 = vector.shape_cast %swap3A_124 : vector<1x64x1xi32> to vector<64x1xi32>
    %swap3A_126 = vector.shape_cast %broadcast_in_dim3A_121 : vector<64x1xi32> to vector<1x64x1xi32>
    tpu.vector_store %arg4[%swap3A, %swap3A_122, %swap3A_123], %swap3A_126 {strides = array<i32>} : memref<2x64x1xi32, #tpu.memory_space<vmem>>, vector<1x64x1xi32>,
    %get3A_127 = arith.constant 1 : index
    %get3A_128 = arith.constant 0 : index
    %get3A_129 = arith.constant 0 : index
    %get3A_130 = vector.load %arg1[%get3A_127, %get3A_128, %get3A_129] : memref<2x64x6xf32, #tpu.memory_space<vmem>>, vector<1x64x6xf32>
    %get3A_131 = vector.shape_cast %get3A_130 : vector<1x64x6xf32> to vector<64x6xf32>
    %slice3A_132 = vector.extract_strided_slice %get3A_131 {offsets = [0, 0], sizes = [64, 3], strides = [1, 1]} : vector<64x6xf32> to vector<64x3xf32>
    %get3A_133 = arith.constant 1 : index
    %get3A_134 = arith.constant 0 : index
    %get3A_135 = arith.constant 0 : index
    %get3A_136 = vector.load %arg2[%get3A_133, %get3A_134, %get3A_135] : memref<2x3x2048xf32, #tpu.memory_space<vmem>>, vector<1x1x2048xf32>
    %get3A_137 = vector.shape_cast %get3A_136 : vector<1x1x2048xf32> to vector<1x2048xf32>
    %get3A_138 = arith.constant 1 : index
    %get3A_139 = arith.constant 1 : index
    %get3A_140 = arith.constant 0 : index
    %get3A_141 = vector.load %arg2[%get3A_138, %get3A_139, %get3A_140] : memref<2x3x2048xf32, #tpu.memory_space<vmem>>, vector<1x1x2048xf32>
    %get3A_142 = vector.shape_cast %get3A_141 : vector<1x1x2048xf32> to vector<1x2048xf32>
    %get3A_143 = arith.constant 1 : index
    %get3A_144 = arith.constant 2 : index
    %get3A_145 = arith.constant 0 : index
    %get3A_146 = vector.load %arg2[%get3A_143, %get3A_144, %get3A_145] : memref<2x3x2048xf32, #tpu.memory_space<vmem>>, vector<1x1x2048xf32>
    %get3A_147 = vector.shape_cast %get3A_146 : vector<1x1x2048xf32> to vector<1x2048xf32>
    %get3A_148 = arith.constant 1 : index
    %get3A_149 = arith.constant 0 : index
    %get3A_150 = arith.constant 0 : index
    %get3A_151 = vector.load %arg3[%get3A_148, %get3A_149, %get3A_150] : memref<2x1x2048xf32, #tpu.memory_space<vmem>>, vector<1x1x2048xf32>
    %get3A_152 = vector.shape_cast %get3A_151 : vector<1x1x2048xf32> to vector<1x2048xf32>
    %slice3A_153 = vector.extract_strided_slice %get3A_137 {offsets = [0, 1], sizes = [1, 2047], strides = [1, 1]} : vector<1x2048xf32> to vector<1x2047xf32>
    %concatenate3A_154 = tpu.concatenate %slice3A_153, %broadcast_in_dim3A_7 in 1 : vector<1x2047xf32>, vector<1x1xf32> -> vector<1x2048xf32>
    %slice3A_155 = vector.extract_strided_slice %get3A_142 {offsets = [0, 1], sizes = [1, 2047], strides = [1, 1]} : vector<1x2048xf32> to vector<1x2047xf32>
    %concatenate3A_156 = tpu.concatenate %slice3A_155, %broadcast_in_dim3A_7 in 1 : vector<1x2047xf32>, vector<1x1xf32> -> vector<1x2048xf32>
    %slice3A_157 = vector.extract_strided_slice %get3A_147 {offsets = [0, 1], sizes = [1, 2047], strides = [1, 1]} : vector<1x2048xf32> to vector<1x2047xf32>
    %concatenate3A_158 = tpu.concatenate %slice3A_157, %broadcast_in_dim3A_7 in 1 : vector<1x2047xf32>, vector<1x1xf32> -> vector<1x2048xf32>
    %sub3A_159 = arith.subf %concatenate3A_154, %get3A_137 : vector<1x2048xf32>
    %sub3A_160 = arith.subf %concatenate3A_156, %get3A_142 : vector<1x2048xf32>
    %sub3A_161 = arith.subf %concatenate3A_158, %get3A_147 : vector<1x2048xf32>
    %mul3A_162 = arith.mulf %sub3A_159, %sub3A_159 : vector<1x2048xf32>
    %mul3A_163 = arith.mulf %sub3A_160, %sub3A_160 : vector<1x2048xf32>
    %add3A_164 = arith.addf %mul3A_162, %mul3A_163 : vector<1x2048xf32>
    %mul3A_165 = arith.mulf %sub3A_161, %sub3A_161 : vector<1x2048xf32>
    %add3A_166 = arith.addf %add3A_164, %mul3A_165 : vector<1x2048xf32>
    %max3A_167 = arith.constant 9.99999996E-13 : f32
    %max3A_168 = vector.broadcast %max3A_167 : f32 to vector<1x2048xf32>
    %max3A_169 = arith.maximumf %add3A_166, %max3A_168 : vector<1x2048xf32>
    %div3A_170 = arith.constant 5.000000e-01 : f32
    %div3A_171 = vector.broadcast %div3A_170 : f32 to vector<1x2048xf32>
    %div3A_172 = arith.divf %div3A_171, %max3A_169 : vector<1x2048xf32>
    %mul3A_173 = arith.mulf %get3A_137, %get3A_137 : vector<1x2048xf32>
    %mul3A_174 = arith.mulf %get3A_142, %get3A_142 : vector<1x2048xf32>
    %add3A_175 = arith.addf %mul3A_173, %mul3A_174 : vector<1x2048xf32>
    %mul3A_176 = arith.mulf %get3A_147, %get3A_147 : vector<1x2048xf32>
    %add3A_177 = arith.addf %add3A_175, %mul3A_176 : vector<1x2048xf32>
    %slice3A_178 = vector.extract_strided_slice %get3A_152 {offsets = [0, 1], sizes = [1, 2047], strides = [1, 1]} : vector<1x2048xf32> to vector<1x2047xf32>
    %concatenate3A_179 = tpu.concatenate %slice3A_178, %broadcast_in_dim3A_7 in 1 : vector<1x2047xf32>, vector<1x1xf32> -> vector<1x2048xf32>
    %mul3A_180 = arith.mulf %get3A_152, %concatenate3A_179 : vector<1x2048xf32>
    %mul3A_181 = arith.mulf %mul3A_180, %select_n3A : vector<1x2048xf32>
    %sub3A_182 = arith.constant 1.000000e+00 : f32
    %sub3A_183 = vector.broadcast %sub3A_182 : f32 to vector<1x2048xf32>
    %sub3A_184 = arith.subf %sub3A_183, %mul3A_181 : vector<1x2048xf32>
    %mul3A_185 = arith.constant 1.000000e+30 : f32
    %mul3A_186 = vector.broadcast %mul3A_185 : f32 to vector<1x2048xf32>
    %mul3A_187 = arith.mulf %sub3A_184, %mul3A_186 : vector<1x2048xf32>
    %concatenate3A_188 = tpu.concatenate %get3A_137, %get3A_142, %get3A_147 in 0 : vector<1x2048xf32>, vector<1x2048xf32>, vector<1x2048xf32> -> vector<3x2048xf32>
    %convert_element_type3A_189 = arith.truncf %slice3A_132 : vector<64x3xf32> to vector<64x3xbf16>
    %convert_element_type3A_190 = arith.extf %convert_element_type3A_189 : vector<64x3xbf16> to vector<64x3xf32>
    %sub3A_191 = arith.subf %slice3A_132, %convert_element_type3A_190 : vector<64x3xf32>
    %convert_element_type3A_192 = arith.truncf %sub3A_191 : vector<64x3xf32> to vector<64x3xbf16>
    %convert_element_type3A_193 = arith.truncf %concatenate3A_188 : vector<3x2048xf32> to vector<3x2048xbf16>
    %convert_element_type3A_194 = arith.extf %convert_element_type3A_193 : vector<3x2048xbf16> to vector<3x2048xf32>
    %sub3A_195 = arith.subf %concatenate3A_188, %convert_element_type3A_194 : vector<3x2048xf32>
    %convert_element_type3A_196 = arith.truncf %sub3A_195 : vector<3x2048xf32> to vector<3x2048xbf16>
    %dot_general3A_197 = arith.constant dense<0.000000e+00> : vector<64x2048xf32>
    %dot_general3A_198 = tpu.matmul %convert_element_type3A_189, %convert_element_type3A_193, %dot_general3A_197 {dimension_numbers = #tpu.dot_dimension_numbers<[1], [0], [0], [1], [0, 0, 1, 1], [], []>, transpose_lhs_hint = false} : vector<64x3xbf16>, vector<3x2048xbf16>, vector<64x2048xf32> -> vector<64x2048xf32>
    %dot_general3A_199 = arith.constant dense<0.000000e+00> : vector<64x2048xf32>
    %dot_general3A_200 = tpu.matmul %convert_element_type3A_192, %convert_element_type3A_196, %dot_general3A_199 {dimension_numbers = #tpu.dot_dimension_numbers<[1], [0], [0], [1], [0, 0, 1, 1], [], []>, transpose_lhs_hint = false} : vector<64x3xbf16>, vector<3x2048xbf16>, vector<64x2048xf32> -> vector<64x2048xf32>
    %add3A_201 = arith.addf %dot_general3A_198, %dot_general3A_200 : vector<64x2048xf32>
    %dot_general3A_202 = arith.constant dense<0.000000e+00> : vector<64x2048xf32>
    %dot_general3A_203 = tpu.matmul %convert_element_type3A_189, %convert_element_type3A_196, %dot_general3A_202 {dimension_numbers = #tpu.dot_dimension_numbers<[1], [0], [0], [1], [0, 0, 1, 1], [], []>, transpose_lhs_hint = false} : vector<64x3xbf16>, vector<3x2048xbf16>, vector<64x2048xf32> -> vector<64x2048xf32>
    %dot_general3A_204 = arith.constant dense<0.000000e+00> : vector<64x2048xf32>
    %dot_general3A_205 = tpu.matmul %convert_element_type3A_192, %convert_element_type3A_193, %dot_general3A_204 {dimension_numbers = #tpu.dot_dimension_numbers<[1], [0], [0], [1], [0, 0, 1, 1], [], []>, transpose_lhs_hint = false} : vector<64x3xbf16>, vector<3x2048xbf16>, vector<64x2048xf32> -> vector<64x2048xf32>
    %add3A_206 = arith.addf %dot_general3A_203, %dot_general3A_205 : vector<64x2048xf32>
    %add3A_207 = arith.addf %add3A_201, %add3A_206 : vector<64x2048xf32>
    %add3A_208 = arith.addf %add3A_207, %add3A_207 : vector<64x2048xf32>
    %sub3A_209 = vector.broadcast %add3A_177 : vector<1x2048xf32> to vector<64x2048xf32>
    %sub3A_210 = arith.subf %sub3A_209, %add3A_208 : vector<64x2048xf32>
    %slice3A_211 = vector.extract_strided_slice %sub3A_210 {offsets = [0, 1], sizes = [64, 2047], strides = [1, 1]} : vector<64x2048xf32> to vector<64x2047xf32>
    %broadcast_in_dim3A_212 = arith.constant 0.000000e+00 : f32
    %broadcast_in_dim3A_213 = vector.broadcast %broadcast_in_dim3A_212 : f32 to vector<64x1xf32>
    %concatenate3A_214 = tpu.concatenate %slice3A_211, %broadcast_in_dim3A_213 in 1 : vector<64x2047xf32>, vector<64x1xf32> -> vector<64x2048xf32>
    %sub3A_215 = arith.subf %sub3A_210, %concatenate3A_214 : vector<64x2048xf32>
    %mul3A_216 = vector.broadcast %div3A_172 : vector<1x2048xf32> to vector<64x2048xf32>
    %mul3A_217 = arith.mulf %sub3A_215, %mul3A_216 : vector<64x2048xf32>
    %add3A_218 = arith.constant 5.000000e-01 : f32
    %add3A_219 = vector.broadcast %add3A_218 : f32 to vector<64x2048xf32>
    %add3A_220 = arith.addf %mul3A_217, %add3A_219 : vector<64x2048xf32>
    %jit3A_221 = arith.constant 0.000000e+00 : f32
    %jit3A_222 = arith.constant 1.000000e+00 : f32
    %max3A_223 = vector.broadcast %jit3A_221 : f32 to vector<64x2048xf32>
    %max3A_224 = arith.maximumf %max3A_223, %add3A_220 : vector<64x2048xf32>
    %min3A_225 = vector.broadcast %jit3A_222 : f32 to vector<64x2048xf32>
    %min3A_226 = arith.minimumf %min3A_225, %max3A_224 : vector<64x2048xf32>
    %sub3A_227 = arith.subf %min3A_226, %add3A_220 : vector<64x2048xf32>
    %sub3A_228 = arith.subf %sub3A_227, %add3A_220 : vector<64x2048xf32>
    %mul3A_229 = arith.mulf %min3A_226, %sub3A_228 : vector<64x2048xf32>
    %mul3A_230 = vector.broadcast %max3A_169 : vector<1x2048xf32> to vector<64x2048xf32>
    %mul3A_231 = arith.mulf %mul3A_230, %mul3A_229 : vector<64x2048xf32>
    %add3A_232 = arith.addf %sub3A_210, %mul3A_231 : vector<64x2048xf32>
    %add3A_233 = vector.broadcast %mul3A_187 : vector<1x2048xf32> to vector<64x2048xf32>
    %add3A_234 = arith.addf %add3A_232, %add3A_233 : vector<64x2048xf32>
    %argmin3A_235 = tpu.reduce_index %add3A_234 {axis = 1 : i32, kind = #tpu.reduction_kind<arg_min>} : vector<64x2048xf32> -> vector<64xi32>
    %gt3A_236 = arith.constant 0.000000e+00 : f32
    %gt3A_237 = vector.broadcast %gt3A_236 : f32 to vector<1x2048xf32>
    %gt3A_238 = arith.cmpf ogt, %mul3A_181, %gt3A_237 : vector<1x2048xf32>
    %reduce_or3A_239 = arith.constant 1.000000e+00 : f32
    %reduce_or3A_240 = arith.constant 0.000000e+00 : f32
    %reduce_or3A_241 = vector.broadcast %reduce_or3A_239 : f32 to vector<1x2048xf32>
    %reduce_or3A_242 = vector.broadcast %reduce_or3A_240 : f32 to vector<1x2048xf32>
    %reduce_or3A_243 = arith.select %gt3A_238, %reduce_or3A_241, %reduce_or3A_242 : vector<1x2048xi1>, vector<1x2048xf32>
    %reduce_or3A_244 = vector.shape_cast %reduce_or3A_243 : vector<1x2048xf32> to vector<1x1x2048xf32>
    %reduce_or3A_245 = arith.constant dense<0xFF800000> : vector<1xf32>
    %reduce_or3A_246 = vector.multi_reduction <maximumf>, %reduce_or3A_244, %reduce_or3A_245 [1, 2] : vector<1x1x2048xf32> to vector<1xf32>
    %reduce_or3A_247 = vector.shape_cast %reduce_or3A_246 : vector<1xf32> to vector<1x1x1xf32>
    %reduce_or3A_248 = vector.extract %reduce_or3A_247[0, 0, 0] : f32 from vector<1x1x1xf32>
    %reduce_or3A_249 = arith.constant 0.000000e+00 : f32
    %reduce_or3A_250 = arith.cmpf ogt, %reduce_or3A_248, %reduce_or3A_249 : f32
    %jit3A_251 = arith.constant -1 : i32
    %broadcast_in_dim3A_252 = vector.broadcast %jit3A_251 : i32 to vector<64xi32>
    %select_n3A_253 = arith.select %reduce_or3A_250, %argmin3A_235, %broadcast_in_dim3A_252 : vector<64xi32>
    %broadcast_in_dim3A_254 = vector.shape_cast %select_n3A_253 : vector<64xi32> to vector<64x1xi32>
    %swap3A_255 = arith.constant 1 : index
    %swap3A_256 = arith.constant 0 : index
    %swap3A_257 = arith.constant 0 : index
    %swap3A_258 = vector.load %arg4[%swap3A_255, %swap3A_256, %swap3A_257] : memref<2x64x1xi32, #tpu.memory_space<vmem>>, vector<1x64x1xi32>
    %swap3A_259 = vector.shape_cast %swap3A_258 : vector<1x64x1xi32> to vector<64x1xi32>
    %swap3A_260 = vector.shape_cast %broadcast_in_dim3A_254 : vector<64x1xi32> to vector<1x64x1xi32>
    tpu.vector_store %arg4[%swap3A_255, %swap3A_256, %swap3A_257], %swap3A_260 {strides = array<i32>} : memref<2x64x1xi32, #tpu.memory_space<vmem>>, vector<1x64x1xi32>,
    return
  }
  func.func @transform_0(%arg0: i32) -> (i32, i32, i32) {
    %add3A = arith.constant 16 : i32
    %add3A_0 = arith.addi %arg0, %add3A : i32
    %c0_i32 = arith.constant 0 : i32
    %c0_i32_1 = arith.constant 0 : i32
    %c0_i32_2 = arith.constant 0 : i32
    return %add3A_0, %c0_i32, %c0_i32_1 : i32, i32, i32
  }
  func.func @transform_1(%arg0: i32) -> (i32, i32, i32) {
    %add3A = arith.constant 16 : i32
    %add3A_0 = arith.addi %arg0, %add3A : i32
    %c0_i32 = arith.constant 0 : i32
    %c0_i32_1 = arith.constant 0 : i32
    %c0_i32_2 = arith.constant 0 : i32
    return %add3A_0, %c0_i32, %c0_i32_1 : i32, i32, i32
  }
  func.func @transform_2(%arg0: i32) -> (i32, i32, i32) {
    %add3A = arith.constant 16 : i32
    %add3A_0 = arith.addi %arg0, %add3A : i32
    %c0_i32 = arith.constant 0 : i32
    %c0_i32_1 = arith.constant 0 : i32
    %c0_i32_2 = arith.constant 0 : i32
    return %add3A_0, %c0_i32, %c0_i32_1 : i32, i32, i32
  }
  func.func @transform_3(%arg0: i32) -> (i32, i32, i32) {
    %c0_i32 = arith.constant 0 : i32
    %c0_i32_0 = arith.constant 0 : i32
    %c0_i32_1 = arith.constant 0 : i32
    return %arg0, %c0_i32, %c0_i32_0 : i32, i32, i32
  }
}

</mosaic_0001>

<sc_bundles>
// kernel: _run.6.cloned.1.call-start
scs
__scs_entry_jumppad:
0x0: {  	(pc) =	sbr.rel $0x88, $3  }
0x1: {  	(tag) =	ssettag $0x0;
	lr =	simm.s32 $0x1  }
0x2: {  	[smem:$0x3F9E] =	sst lr;
	_ =	strace $0xD0000000  }
0x3: {  	_ = 	snop  }
0x4: {  	_ = 	snop  }
0x5: {  	_ = 	snop  }
0x6: {  	_ = 	snop  }
0x7: {  	_ = 	snop  }
__scs_overlays_trampoline_lowered:
0x8: {  	[smem:$0x3FAD] =	sst s0  }
0x9: {  	[smem:$0x3FAE] =	sst s1  }
0xa: {  	[smem:$0x3FAF] =	sst s2  }
0xb: {  	[smem:$0x3FB0] =	sst s3  }
0xc: {  	[smem:$0x3FB1] =	sst s4  }
0xd: {  	[smem:$0x3FB2] =	sst s5  }
0xe: {  	[smem:$0x3FB3] =	sst s6  }
0xf: {  	[smem:$0x3FB4] =	sst s7  }
0x10: {  	[smem:$0x3FB5] =	sst s8  }
0x11: {  	[smem:$0x3FB6] =	sst s9;
	s0 =	simm.s32 @!p0 $0x0  }
0x12: {  	s1 =	sld [smem:$0x3F9C];
	s0 =	simm.s32 @p0 $0x1  }
0x13: {  	[smem:$0x3FB7] =	sst s0;
	s0 =	simm.s32 @!p1 $0x0  }
0x14: {  	s2 =	sld [smem:$0x3F9B];
	s0 =	simm.s32 @p1 $0x1  }
0x15: {  	[smem:$0x3FB8] =	sst s0;
	s0 =	simm.s32 @!p2 $0x0  }
0x16: {  	s3 =	sld [smem:$0x3FDB];
	s0 =	simm.s32 @p2 $0x1  }
0x17: {  	s4 =	simm.s32 $0x1BF5;
	[smem:$0x3FBA] =	sst s0  }
0x18: {  	s0 =	sld [smem:$0x3F9D];
	_ =	swait.ge [sflag:s4], $0x0  }
0x19: {  	s7 =	sld [smem:$0x3F9E]  }
0x1a: {  	s8 =	sadd.s32 $0xFFFFE003, lr  }
0x1b: {  	s9 =	sadd.s32 $0xFFFFFEF7, lr;
	s5 =	simm.s32 $0xFFFFFFFF;
	p2 =	slt.u32 s8, $0xFFFFF086  }
0x1c: {  	p1 =	slt.u32 s9, $0xF7A;
	s5 =	simm.s32 @!p2 $0x0  }
0x1d: {  	s5 =	simm.s32 @p1 $0x1;
	p0 =	seq.s32 s7, s2  }
0x1e: {  	s7 =	smul.u32 @!p0 $0xF7A, s2;
	p2 =	seq.s32 @!p0 s5, $0x0  }
0x1f: {  	s9 =	smul.u32 $0xF7A, s1;
	s8 =	simm.s32 @!p0 $0x1BF5;
	p2 =	por !p2, p0  }
0x20: {  	[sflag:s8] =	ssyncset.s32 @!p0 $0xFFFFF086;
	s6 =	sadd.s32 @!p0 s3, s7;
	s7 =	simm.s32 @!p0 $0x108  }
0x21: {  	s3 =	sadd.s32 s3, s9;
	s6 =	sadd.s32 @!p0 $0x88, s6;
	s7 =	simm.s32 @p2 $0x1082  }
0x22: {  	[simem:s7], [sflag:s8] =	dma.local @!p0 [hbm:s6], $0xF7A  }
0x23: {  	s9 =	sor.u32 $0xD0000000, s2;
	s6 =	simm.s32 $0x108;
	_ =	swait.ge @!p0 [sflag:s8], $0x0  }
0x24: {  	s3 =	sadd.s32 $0x88, s3;
	s6 =	simm.s32 @!p1 $0x1082;
	[sflag:s4] =	ssyncset.s32 $0xFFFFF086  }
0x25: {  	[simem:s6], [sflag:s4] =	dma.local [hbm:s3], $0xF7A  }
0x26: {  	[smem:$0x3F9E] =	sst s1;
	(tag) =	ssettag s2;
	_ =	strace s9  }
0x27: {  	s1 =	sld [smem:$0x3FAE]  }
0x28: {  	s2 =	sld [smem:$0x3FAF]  }
0x29: {  	s4 =	sld [smem:$0x3FB1]  }
0x2a: {  	p0 =	seq.s32 s5, $0x0;
	s5 =	sld [smem:$0x3FB2]  }
0x2b: {  	s6 =	sld [smem:$0x3FB3]  }
0x2c: {  	s7 =	sld [smem:$0x3FB4]  }
0x2d: {  	s3 =	simm.s32 $0x108;
	s8 =	sld [smem:$0x3FB5]  }
0x2e: {  	s3 =	simm.s32 @!p0 $0x1082;
	s9 =	sld [smem:$0x3FB6]  }
0x2f: {  	lr =	sadd.s32 s0, s3;
	s0 =	sld [smem:$0x3FAD]  }
0x30: {  	s3 =	sld [smem:$0x3FB0]  }
0x31: {  	[smem:$0x3FB9] =	sst s10  }
0x32: {  	s10 =	sld [smem:$0x3FB7];
	_ =	sdelay $0x3  }
0x33: {  	p0 =	seq.s32 s10, $0x1;
	s10 =	sld [smem:$0x3FB9];
	_ =	sdelay $0x3  }
0x34: {  	[smem:$0x3FB9] =	sst s10  }
0x35: {  	s10 =	sld [smem:$0x3FB8];
	_ =	sdelay $0x3  }
0x36: {  	p1 =	seq.s32 s10, $0x1;
	s10 =	sld [smem:$0x3FB9];
	_ =	sdelay $0x3  }
0x37: {  	[smem:$0x3FB9] =	sst s10  }
0x38: {  	s10 =	sld [smem:$0x3FBA]  }
0x39: {  	_ = 	snop;
	(pc) =	sbr.ind lr, $3  }
0x3a: {  	_ = 	snop  }
0x3b: {  	_ = 	snop  }
0x3c: {  	p2 =	seq.s32 s10, $0x1;
	s10 =	sld [smem:$0x3FB9]  }
0x3d: {  	_ =	shalt  }
0x3e: {  	_ =	shalt  }
0x3f: {  	_ =	shalt  }
0x40: {  	_ =	shalt  }
0x41: {  	_ =	shalt  }
0x42: {  	_ =	shalt  }
0x43: {  	_ =	shalt  }
0x44: {  	_ =	shalt  }
0x45: {  	_ =	shalt  }
0x46: {  	_ =	shalt  }
0x47: {  	_ =	shalt  }
0x48: {  	_ =	shalt  }
0x49: {  	_ =	shalt  }
0x4a: {  	_ =	shalt  }
0x4b: {  	_ =	shalt  }
0x4c: {  	_ =	shalt  }
0x4d: {  	_ =	shalt  }
0x4e: {  	_ =	shalt  }
0x4f: {  	_ =	shalt  }
0x50: {  	_ =	shalt  }
0x51: {  	_ =	shalt  }
0x52: {  	_ =	shalt  }
0x53: {  	_ =	shalt  }
0x54: {  	_ =	shalt  }
0x55: {  	_ =	shalt  }
0x56: {  	_ =	shalt  }
0x57: {  	_ =	shalt  }
0x58: {  	_ =	shalt  }
0x59: {  	_ =	shalt  }
0x5a: {  	_ =	shalt  }
0x5b: {  	_ =	shalt  }
0x5c: {  	_ =	shalt  }
0x5d: {  	_ =	shalt  }
0x5e: {  	_ =	shalt  }
0x5f: {  	_ =	shalt  }
0x60: {  	_ =	shalt  }
0x61: {  	_ =	shalt  }
0x62: {  	_ =	shalt  }
0x63: {  	_ =	shalt  }
0x64: {  	_ =	shalt  }
0x65: {  	_ =	shalt  }
0x66: {  	_ =	shalt  }
0x67: {  	_ =	shalt  }
0x68: {  	_ =	shalt  }
0x69: {  	_ =	shalt  }
0x6a: {  	_ =	shalt  }
0x6b: {  	_ =	shalt  }
0x6c: {  	_ =	shalt  }
0x6d: {  	_ =	shalt  }
0x6e: {  	_ =	shalt  }
0x6f: {  	_ =	shalt  }
0x70: {  	_ =	shalt  }
0x71: {  	_ =	shalt  }
0x72: {  	_ =	shalt  }
0x73: {  	_ =	shalt  }
0x74: {  	_ =	shalt  }
0x75: {  	_ =	shalt  }
0x76: {  	_ =	shalt  }
0x77: {  	_ =	shalt  }
0x78: {  	_ =	shalt  }
0x79: {  	_ =	shalt  }
0x7a: {  	_ =	shalt  }
0x7b: {  	_ =	shalt  }
0x7c: {  	_ =	shalt  }
0x7d: {  	_ =	shalt  }
0x7e: {  	_ =	shalt  }
0x7f: {  	_ =	shalt  }
0x80: {  	_ =	shalt  }
0x81: {  	_ =	shalt  }
0x82: {  	_ =	shalt  }
0x83: {  	_ =	shalt  }
0x84: {  	_ =	shalt  }
0x85: {  	_ =	shalt  }
0x86: {  	_ =	shalt  }
0x87: {  	_ =	shalt  }
.Lfunc_end0:
.L_simem_size_0:
called_computation_lowered:
.L_overlay_start_0:
0x88: {  	s2 =	sld [smem:$0x3FD9]  }
0x89: {  	s3 =	sld [smem:$0x3FFE];
	_ =	sdelay $0x1  }
0x8a: {  	s1 =	srdreg.scid  }
0x8b: {  	s0 =	sand.u32 $0x1, s1  }
0x8c: {  	s16 =	sshll.u32 s0, $0xA;
	s2 =	sadd.s32 s3, s2  }
0x8d: {  	s2 =	sadd.s32 s2, s16  }
0x8e: {  	[smem:$0x3FC5] =	sst s2  }
0x8f: {  	_ = 	snop  }
0x90: {  	(tm) =	ssettm $0x1  }
0x91: {  	s17 =	sld [smem:$0x3FFB];
	_ =	sdelay $0x3  }
0x92: {  	_ =	strace s17  }
0x93: {  	s2 =	sld [smem:$0x3FFC];
	_ =	sdelay $0x3  }
0x94: {  	_ =	strace s2  }
0x95: {  	s2 =	sld [smem:$0x3FFD];
	_ =	sdelay $0x3  }
0x96: {  	_ =	strace s2  }
0x97: {  	_ =	strace $0x8FFFFFFF  }
0x98: {  	s18 =	sld [smem:$0x3FDB];
	_ =	sdelay $0x1  }
0x99: {  	s19 =	simm.s32 $_scs_section_size  }
0x9a: {  	s4 =	simm.s32 $_size__tile_overlayer_lowered;
	s5 =	simm.s32 $_tile_overlayer_lowered  }
0x9b: {  	s22 =	simm.s32 $0x1BFF;
	s21 =	sshll.u32 s5, $0x1;
	s2 =	sadd.s32 s19, s18  }
0x9c: {  	s6 =	simm.s32 $0x0;
	s20 =	sshll.u32 s4, $0x1;
	s4 =	sadd.s32 s21, s2  }
0x9d: {  	[timem:s6], [sflag:s22] =	dma.local [hbm:s4], s20  }
0x9e: {  	_ =	swait.ge [sflag:s22], s20  }
0x9f: {  	s3 =	ssub.s32 $0x0, s20;
	[sflag:s22] =	ssyncset.done $0x0  }
0xa0: {  	[sflag:s22] =	ssyncadd.s32 s3;
	_ =	sdelay $0x1  }
0xa1: {  	s23 =	simm.s32 $0x1B8B  }
0xa2: {  	_ =	swait.ge [sflag:s23], $0x1  }
0xa3: {  	[sflag:s23] =	ssyncset.done $0x0  }
0xa4: {  	s25 =	simm.s32 $0x1B8E;
	s24 =	sld [smem:$0x3FFE];
	[sflag:s23] =	ssyncadd.s32 $0xFFFFFFFF  }
0xa5: {  	s26 =	simm.s32 $execute0_lowered;
	[smem:$0x3FD2] =	sst s25  }
0xa6: {  	s4 =	sshll.u32 s26, $0x1;
	_ =	strace $0x80000046;
	[dreg:$0x1] =	wrdreg $0xFFFFFFFF  }
0xa7: {  	s28 =	simm.s32 $_size_execute0_lowered;
	s2 =	sadd.s32 s2, s4;
	[dreg:$0x0] =	wrdreg $0x0  }
0xa8: {  	s4 =	sshll.u32 s28, $0x1;
	[dreg:$0x2] =	wrdreg s2  }
0xa9: {  	[dreg:$0x3] =	wrdreg s4  }
0xaa: {  	[dreg:$0x4] =	wrdreg $0xC0  }
0xab: {  	_ =	task [dreg:s6], $0x5FFFF  }
0xac: {  	[dreg:$0x1] =	wrdreg $0xFFFFFFFF  }
0xad: {  	[dreg:$0x0] =	wrdreg $0x60  }
0xae: {  	[dreg:$0x2] =	wrdreg s24  }
0xaf: {  	[dreg:$0x3] =	wrdreg $0x9  }
0xb0: {  	_ =	task.clear_ibuf [dreg:s6], $0x4FFFF;
	_ =	strace $0x90000046  }
0xb1: {  	s29 =	simm.s32 $0x9;
	_ =	strace $0x80000048  }
0xb2: {  	_ =	swait.ge [sflag:s29], $0x1  }
0xb3: {  	[sflag:s29] =	ssyncadd.s32 $0xFFFFFFFF  }
0xb4: {  	_ =	strace $0x90000048  }
0xb5: {  	_ =	sfence  }
0xb6: {  	s30 =	sld [smem:$0x0];
	_ =	sdelay $0x2  }
0xb7: {  	s31 =	sshll.u32 s1, $0xD;
	s1 =	sshrl.u32 s1, $0x2  }
0xb8: {  	s3 =	sand.u32 $0x4000, s31;
	s1 =	sadd.s32 s1, s30  }
0xb9: {  	s0 =	sor.u32 s3, s0;
	s1 =	sshll.u32 s1, $0x11  }
0xba: {  	s0 =	sor.u32 s1, s0  }
0xbb: {  	s0 =	sadd.s32 $0x8F2B, s0  }
0xbc: {  	[sflag:s0] =	ssyncadd.remote.s32 $0x1  }
0xbd: {  	_ =	sfence.sel $0xFFFF  }
0xbe: {  	[dreg:$0x0] =	wrdreg $0xFFFFFFFF;
	(pc) =	sbr.abs _section_cstart, $3  }
0xbf: {  	[dreg:$0x1] =	wrdreg $0xFFFFFFFF  }
0xc0: {  	_ =	task.clear_ibuf [dreg:s6], $0x2FFFF;
	_ =	strace $0x9FFFFFFF  }
0xc1: {  	(tm) =	ssettm $0x7FFFFFFF  }
tec
execute0_lowered:
.L_overlay_start_1:
0x0: {  	(tag) =	ssettag $0x1  }
0x1: {  	s3 =	rddreg [dreg:$0x0];
	s2 =	srdreg.scid  }
0x2: {  	s0 =	rddreg [dreg:$0x1];
	s1 =	stileid.u32;
	s8 =	simm.s32 $0x2000  }
0x3: {  	v0 =	vlaneseq.u32;
	s9 =	simm.s32 $0x4000;
	s10 =	simm.s32 $0x1;
	s11 =	simm.s32 $0x2  }
0x4: {  	s12 =	simm.s32 $0x3;
	s13 =	simm.s32 $0x4;
	s4 =	sand.u32 $0x1, s2;
	v0 =	vmul.u32 $0x80, v0  }
0x5: {  	s2 =	simm.s32 $0x0;
	s5 =	sshll.u32 s1, $0xB;
	s6 =	sshll.u32 s4, $0xA  }
0x6: {  	[smem:$0x7FF] =	sst s2;
	s4 =	ssub.s32 $0x2, s4;
	s5 =	sor.u32 s6, s5;
	v1 =	vor.u32 $0x1, v0;
	v2 =	vor.u32 $0x2, v0  }
0x7: {  	_ =	strace $0x80000047;
	s31 =	sshrl.u32 s4, $0x1;
	v3 =	vor.u32 $0x800, v0;
	v4 =	vor.u32 $0x801, v0;
	v5 =	vor.u32 $0x802, v0;
	s6 =	sadd.s32 s5, s3  }
0x8: {  	v6 =	vor.u32 $0x1000, v0;
	v7 =	vor.u32 $0x1001, v0;
	v8 =	vor.u32 $0x1002, v0;
	s7 =	ssub.s32 s4, s31;
	s3 =	sadd.s32 $0x11800, s6;
	s4 =	sadd.s32 $0x21800, s6  }
0x9: {  	v9 =	vor.u32 $0x1800, v0;
	v10 =	vor.u32 $0x1801, v0;
	v11 =	vor.u32 $0x1802, v0;
	s5 =	sadd.s32 $0x1800, s6;
	s6 =	sadd.s32 $0x29800, s6;
	s7 =	smax.u32 s7, $0x1  }
.LBB2_1:
0xa: {  	[tilespmem:s2], [sflag:$0x1] =	stream.linear.gather [hbm4b:s3+s2], $0x2000, $0x38;
	[tilespmem:$0x6000] =	vst v63  }
0xb: {  	_ = 	snop  }
0xc: {  	[tilespmem:s8], [sflag:$0x2] =	stream.linear.gather [hbm4b:s4+s2], $0x2000, $0x38;
	[tilespmem:$0x6000] =	vst v63  }
0xd: {  	_ = 	snop  }
0xe: {  	[tilespmem:s9], [sflag:$0x3] =	stream.linear.gather [hbm4b:s5+s2], $0x2000, $0x38;
	[tilespmem:$0x6000] =	vst v63  }
0xf: {  	_ =	swait.ge [sflag:s10], $0x2000  }
0x10: {  	[sflag:s10] =	ssyncset.done $0x0  }
0x11: {  	[sflag:s10] =	ssyncadd.s32 $0xFFFFE000  }
0x12: {  	_ =	swait.ge [sflag:s11], $0x2000  }
0x13: {  	[sflag:s11] =	ssyncset.done $0x0  }
0x14: {  	[sflag:s11] =	ssyncadd.s32 $0xFFFFE000  }
0x15: {  	_ =	swait.ge [sflag:s12], $0x2000  }
0x16: {  	[sflag:s12] =	ssyncset.done $0x0  }
0x17: {  	[sflag:s12] =	ssyncadd.s32 $0xFFFFE000  }
0x18: {  	v12 =	vld.idx.msk [tilespmem:v0+s8+$0x0], $0xffff;
	_ =	sdelay $0x4  }
0x19: {  	vm0 =	vgt.s32 v12, $0x0  }
0x1a: {  	v13 =	vnsel vm0, $0x0, v12  }
0x1b: {  	v14 =	vshll.u32 v13, $0x2  }
0x1c: {  	v15 =	vand.u32 $0x7F, v13;
	v13 =	vadd.s32 $0x1, v13;
	v14 =	vand.u32 $0xFFFFFE00, v14  }
0x1d: {  	v37 =	vshll.u32 v13, $0x2;
	v14 =	vor.u32 v15, v14  }
0x1e: {  	v13 =	vand.u32 $0x7F, v13;
	v15 =	vand.u32 $0xFFFFFE00, v37;
	v16 =	vor.u32 $0x80, v14  }
0x1f: {  	v13 =	vor.u32 v13, v15  }
0x20: {  	v15 =	vor.u32 $0x80, v13  }
0x21: {  	v17 =	vor.u32 $0x100, v14  }
0x22: {  	v18 =	vor.u32 $0x100, v13;
	v14 =	vld.idx.msk [tilespmem:v14+s2+$0x0], $0xffff  }
0x23: {  	v16 =	vld.idx.msk [tilespmem:v16+s2+$0x0], $0xffff  }
0x24: {  	v13 =	vld.idx.msk [tilespmem:v13+s2+$0x0], $0xffff  }
0x25: {  	v15 =	vld.idx.msk [tilespmem:v15+s2+$0x0], $0xffff  }
0x26: {  	v17 =	vld.idx.msk [tilespmem:v17+s2+$0x0], $0xffff  }
0x27: {  	v18 =	vld.idx.msk [tilespmem:v18+s2+$0x0], $0xffff;
	_ =	sdelay $0x2  }
0x28: {  	v13 =	vsub.f32 v13, v14;
	v15 =	vsub.f32 v15, v16;
	_ =	sdelay $0x1  }
0x29: {  	v18 =	vsub.f32 v18, v17;
	v19 =	vmul.f32 v13, v13;
	v20 =	vmul.f32 v15, v15;
	_ =	sdelay $0x1  }
0x2a: {  	v38 =	vmul.f32 v18, v18;
	v19 =	vadd.f32 v20, v19  }
0x2b: {  	v21 =	vld.idx.msk [tilespmem:v0+s9+$0x0], $0xffff  }
0x2c: {  	v22 =	vld.idx.msk [tilespmem:v1+s9+$0x0], $0xffff;
	v19 =	vadd.f32 v38, v19;
	_ =	sdelay $0x1  }
0x2d: {  	v39 =	vld.idx.msk [tilespmem:v2+s9+$0x0], $0xffff;
	v19 =	vmax.f32 v19, $9.999999960e-13  }
0x2e: {  	(erf) = vrcp.f32 v19;
	_ =	sdelay $0x1  }
0x2f: {  	v40 =	vsub.f32 v21, v14;
	v23 =	vsub.f32 v22, v16;
	_ =	sdelay $0x1  }
0x30: {  	v24 =	vsub.f32 v39, v17;
	v23 =	vmul.f32 v23, v15;
	v19 =	vmul.f32 v40, v13;
	_ =	sdelay $0x1  }
0x31: {  	v41 =	vmul.f32 v24, v18;
	v19 =	vadd.f32 v23, v19;
	_ =	sdelay $0x1  }
0x32: {  	v19 =	vadd.f32 v41, v19  }
0x33: {  	v42 =	vpop (erf)  }
0x34: {  	v19 =	vmul.f32 v19, v42;
	_ =	sdelay $0x1  }
0x35: {  	v19 =	vmax.f32 v19, $0.0e+00  }
0x36: {  	v19 =	vmin.f32 v19, $1.000000000e+00  }
0x37: {  	v13 =	vmul.f32 v19, v13  }
0x38: {  	v15 =	vmul.f32 v19, v15  }
0x39: {  	v43 =	vmul.f32 v19, v18;
	v13 =	vadd.f32 v13, v14  }
0x3a: {  	vm9 =	vgt.s32 v12, $0xFFFFFFFF;
	v44 =	vadd.f32 v15, v16  }
0x3b: {  	v14 =	vadd.f32 v43, v17;
	v13 =	vsel vm9, v13, v21  }
0x3c: {  	v12 =	vsel vm9, v44, v22;
	[tilespmem:v0+s9+$0x0] =	vst.idx.msk $0xffff, v13  }
0x3d: {  	v45 =	vsel vm9, v14, v39;
	[tilespmem:v1+s9+$0x0] =	vst.idx.msk $0xffff, v12  }
0x3e: {  	[tilespmem:v2+s9+$0x0] =	vst.idx.msk $0xffff, v45  }
0x3f: {  	v12 =	vld.idx.msk [tilespmem:v3+s8+$0x0], $0xffff;
	_ =	sdelay $0x4  }
0x40: {  	vm10 =	vgt.s32 v12, $0x0  }
0x41: {  	v46 =	vnsel vm10, $0x0, v12  }
0x42: {  	v47 =	vshll.u32 v46, $0x2  }
0x43: {  	v48 =	vand.u32 $0x7F, v46;
	v13 =	vadd.s32 $0x1, v46;
	v14 =	vand.u32 $0xFFFFFE00, v47  }
0x44: {  	v49 =	vshll.u32 v13, $0x2;
	v14 =	vor.u32 v48, v14  }
0x45: {  	v13 =	vand.u32 $0x7F, v13;
	v15 =	vand.u32 $0xFFFFFE00, v49;
	v50 =	vor.u32 $0x80, v14  }
0x46: {  	v13 =	vor.u32 v13, v15  }
0x47: {  	v15 =	vor.u32 $0x80, v13  }
0x48: {  	v51 =	vor.u32 $0x100, v14  }
0x49: {  	v52 =	vor.u32 $0x100, v13;
	v14 =	vld.idx.msk [tilespmem:v14+s2+$0x0], $0xffff  }
0x4a: {  	v16 =	vld.idx.msk [tilespmem:v50+s2+$0x0], $0xffff  }
0x4b: {  	v13 =	vld.idx.msk [tilespmem:v13+s2+$0x0], $0xffff  }
0x4c: {  	v15 =	vld.idx.msk [tilespmem:v15+s2+$0x0], $0xffff  }
0x4d: {  	v17 =	vld.idx.msk [tilespmem:v51+s2+$0x0], $0xffff  }
0x4e: {  	v18 =	vld.idx.msk [tilespmem:v52+s2+$0x0], $0xffff;
	_ =	sdelay $0x2  }
0x4f: {  	v13 =	vsub.f32 v13, v14;
	v15 =	vsub.f32 v15, v16;
	_ =	sdelay $0x1  }
0x50: {  	v18 =	vsub.f32 v18, v17;
	v53 =	vmul.f32 v13, v13;
	v54 =	vmul.f32 v15, v15;
	_ =	sdelay $0x1  }
0x51: {  	v55 =	vmul.f32 v18, v18;
	v19 =	vadd.f32 v54, v53  }
0x52: {  	v56 =	vld.idx.msk [tilespmem:v3+s9+$0x0], $0xffff  }
0x53: {  	v57 =	vld.idx.msk [tilespmem:v4+s9+$0x0], $0xffff;
	v19 =	vadd.f32 v55, v19;
	_ =	sdelay $0x1  }
0x54: {  	v58 =	vld.idx.msk [tilespmem:v5+s9+$0x0], $0xffff;
	v19 =	vmax.f32 v19, $9.999999960e-13  }
0x55: {  	(erf) = vrcp.f32 v19;
	_ =	sdelay $0x1  }
0x56: {  	v59 =	vsub.f32 v56, v14;
	v60 =	vsub.f32 v57, v16;
	_ =	sdelay $0x1  }
0x57: {  	v61 =	vsub.f32 v58, v17;
	v23 =	vmul.f32 v60, v15;
	v19 =	vmul.f32 v59, v13;
	_ =	sdelay $0x1  }
0x58: {  	v62 =	vmul.f32 v61, v18;
	v19 =	vadd.f32 v23, v19;
	_ =	sdelay $0x1  }
0x59: {  	v19 =	vadd.f32 v62, v19  }
0x5a: {  	v63 =	vpop (erf)  }
0x5b: {  	v19 =	vmul.f32 v19, v63;
	_ =	sdelay $0x1  }
0x5c: {  	v19 =	vmax.f32 v19, $0.0e+00  }
0x5d: {  	v19 =	vmin.f32 v19, $1.000000000e+00  }
0x5e: {  	v13 =	vmul.f32 v19, v13  }
0x5f: {  	v15 =	vmul.f32 v19, v15  }
0x60: {  	v18 =	vmul.f32 v19, v18;
	v13 =	vadd.f32 v13, v14  }
0x61: {  	vm11 =	vgt.s32 v12, $0xFFFFFFFF;
	v19 =	vadd.f32 v15, v16  }
0x62: {  	v14 =	vadd.f32 v18, v17;
	v13 =	vsel vm11, v13, v56  }
0x63: {  	v12 =	vsel vm11, v19, v57;
	[tilespmem:v3+s9+$0x0] =	vst.idx.msk $0xffff, v13  }
0x64: {  	v21 =	vsel vm11, v14, v58;
	[tilespmem:v4+s9+$0x0] =	vst.idx.msk $0xffff, v12  }
0x65: {  	[tilespmem:v5+s9+$0x0] =	vst.idx.msk $0xffff, v21  }
0x66: {  	v12 =	vld.idx.msk [tilespmem:v6+s8+$0x0], $0xffff;
	_ =	sdelay $0x4  }
0x67: {  	vm12 =	vgt.s32 v12, $0x0  }
0x68: {  	v22 =	vnsel vm12, $0x0, v12  }
0x69: {  	v23 =	vshll.u32 v22, $0x2  }
0x6a: {  	v24 =	vand.u32 $0x7F, v22;
	v13 =	vadd.s32 $0x1, v22;
	v14 =	vand.u32 $0xFFFFFE00, v23  }
0x6b: {  	v25 =	vshll.u32 v13, $0x2;
	v14 =	vor.u32 v24, v14  }
0x6c: {  	v13 =	vand.u32 $0x7F, v13;
	v15 =	vand.u32 $0xFFFFFE00, v25;
	v26 =	vor.u32 $0x80, v14  }
0x6d: {  	v13 =	vor.u32 v13, v15  }
0x6e: {  	v15 =	vor.u32 $0x80, v13  }
0x6f: {  	v27 =	vor.u32 $0x100, v14  }
0x70: {  	v28 =	vor.u32 $0x100, v13;
	v14 =	vld.idx.msk [tilespmem:v14+s2+$0x0], $0xffff  }
0x71: {  	v16 =	vld.idx.msk [tilespmem:v26+s2+$0x0], $0xffff  }
0x72: {  	v13 =	vld.idx.msk [tilespmem:v13+s2+$0x0], $0xffff  }
0x73: {  	v15 =	vld.idx.msk [tilespmem:v15+s2+$0x0], $0xffff  }
0x74: {  	v17 =	vld.idx.msk [tilespmem:v27+s2+$0x0], $0xffff  }
0x75: {  	v18 =	vld.idx.msk [tilespmem:v28+s2+$0x0], $0xffff;
	_ =	sdelay $0x2  }
0x76: {  	v13 =	vsub.f32 v13, v14;
	v15 =	vsub.f32 v15, v16;
	_ =	sdelay $0x1  }
0x77: {  	v18 =	vsub.f32 v18, v17;
	v29 =	vmul.f32 v13, v13;
	v30 =	vmul.f32 v15, v15;
	_ =	sdelay $0x1  }
0x78: {  	v31 =	vmul.f32 v18, v18;
	v19 =	vadd.f32 v30, v29  }
0x79: {  	v32 =	vld.idx.msk [tilespmem:v6+s9+$0x0], $0xffff  }
0x7a: {  	v33 =	vld.idx.msk [tilespmem:v7+s9+$0x0], $0xffff;
	v19 =	vadd.f32 v31, v19;
	_ =	sdelay $0x1  }
0x7b: {  	v34 =	vld.idx.msk [tilespmem:v8+s9+$0x0], $0xffff;
	v19 =	vmax.f32 v19, $9.999999960e-13  }
0x7c: {  	(erf) = vrcp.f32 v19;
	_ =	sdelay $0x1  }
0x7d: {  	v35 =	vsub.f32 v32, v14;
	v36 =	vsub.f32 v33, v16;
	_ =	sdelay $0x1  }
0x7e: {  	v37 =	vsub.f32 v34, v17;
	v23 =	vmul.f32 v36, v15;
	v19 =	vmul.f32 v35, v13;
	_ =	sdelay $0x1  }
0x7f: {  	v38 =	vmul.f32 v37, v18;
	v19 =	vadd.f32 v23, v19;
	_ =	sdelay $0x1  }
0x80: {  	v19 =	vadd.f32 v38, v19  }
0x81: {  	v39 =	vpop (erf)  }
0x82: {  	v19 =	vmul.f32 v19, v39;
	_ =	sdelay $0x1  }
0x83: {  	v19 =	vmax.f32 v19, $0.0e+00  }
0x84: {  	v19 =	vmin.f32 v19, $1.000000000e+00  }
0x85: {  	v13 =	vmul.f32 v19, v13  }
0x86: {  	v15 =	vmul.f32 v19, v15  }
0x87: {  	v40 =	vmul.f32 v19, v18;
	v13 =	vadd.f32 v13, v14  }
0x88: {  	vm13 =	vgt.s32 v12, $0xFFFFFFFF;
	v41 =	vadd.f32 v15, v16  }
0x89: {  	v14 =	vadd.f32 v40, v17;
	v13 =	vsel vm13, v13, v32  }
0x8a: {  	v12 =	vsel vm13, v41, v33;
	[tilespmem:v6+s9+$0x0] =	vst.idx.msk $0xffff, v13  }
0x8b: {  	v42 =	vsel vm13, v14, v34;
	[tilespmem:v7+s9+$0x0] =	vst.idx.msk $0xffff, v12  }
0x8c: {  	[tilespmem:v8+s9+$0x0] =	vst.idx.msk $0xffff, v42  }
0x8d: {  	v12 =	vld.idx.msk [tilespmem:v9+s8+$0x0], $0xffff;
	_ =	sdelay $0x4  }
0x8e: {  	vm14 =	vgt.s32 v12, $0x0  }
0x8f: {  	v43 =	vnsel vm14, $0x0, v12  }
0x90: {  	v44 =	vshll.u32 v43, $0x2  }
0x91: {  	v45 =	vand.u32 $0x7F, v43;
	v13 =	vadd.s32 $0x1, v43;
	v14 =	vand.u32 $0xFFFFFE00, v44  }
0x92: {  	v46 =	vshll.u32 v13, $0x2;
	v14 =	vor.u32 v45, v14  }
0x93: {  	v13 =	vand.u32 $0x7F, v13;
	v15 =	vand.u32 $0xFFFFFE00, v46;
	v47 =	vor.u32 $0x80, v14  }
0x94: {  	v13 =	vor.u32 v13, v15  }
0x95: {  	v15 =	vor.u32 $0x80, v13  }
0x96: {  	v48 =	vor.u32 $0x100, v14  }
0x97: {  	v49 =	vor.u32 $0x100, v13;
	v14 =	vld.idx.msk [tilespmem:v14+s2+$0x0], $0xffff  }
0x98: {  	v16 =	vld.idx.msk [tilespmem:v47+s2+$0x0], $0xffff  }
0x99: {  	v13 =	vld.idx.msk [tilespmem:v13+s2+$0x0], $0xffff  }
0x9a: {  	v15 =	vld.idx.msk [tilespmem:v15+s2+$0x0], $0xffff  }
0x9b: {  	v17 =	vld.idx.msk [tilespmem:v48+s2+$0x0], $0xffff  }
0x9c: {  	v18 =	vld.idx.msk [tilespmem:v49+s2+$0x0], $0xffff;
	_ =	sdelay $0x2  }
0x9d: {  	v13 =	vsub.f32 v13, v14;
	v15 =	vsub.f32 v15, v16;
	_ =	sdelay $0x1  }
0x9e: {  	v18 =	vsub.f32 v18, v17;
	v50 =	vmul.f32 v13, v13;
	v51 =	vmul.f32 v15, v15;
	_ =	sdelay $0x1  }
0x9f: {  	v52 =	vmul.f32 v18, v18;
	v19 =	vadd.f32 v51, v50  }
0xa0: {  	v53 =	vld.idx.msk [tilespmem:v9+s9+$0x0], $0xffff  }
0xa1: {  	v54 =	vld.idx.msk [tilespmem:v10+s9+$0x0], $0xffff;
	v19 =	vadd.f32 v52, v19;
	_ =	sdelay $0x1  }
0xa2: {  	v55 =	vld.idx.msk [tilespmem:v11+s9+$0x0], $0xffff;
	v19 =	vmax.f32 v19, $9.999999960e-13  }
0xa3: {  	(erf) = vrcp.f32 v19;
	_ =	sdelay $0x1  }
0xa4: {  	v56 =	vsub.f32 v53, v14;
	v57 =	vsub.f32 v54, v16;
	_ =	sdelay $0x1  }
0xa5: {  	v58 =	vsub.f32 v55, v17;
	v23 =	vmul.f32 v57, v15;
	v19 =	vmul.f32 v56, v13;
	_ =	sdelay $0x1  }
0xa6: {  	v59 =	vmul.f32 v58, v18;
	v19 =	vadd.f32 v23, v19;
	_ =	sdelay $0x1  }
0xa7: {  	v19 =	vadd.f32 v59, v19  }
0xa8: {  	v60 =	vpop (erf)  }
0xa9: {  	v19 =	vmul.f32 v19, v60;
	_ =	sdelay $0x1  }
0xaa: {  	v19 =	vmax.f32 v19, $0.0e+00  }
0xab: {  	v19 =	vmin.f32 v19, $1.000000000e+00  }
0xac: {  	v13 =	vmul.f32 v19, v13  }
0xad: {  	v15 =	vmul.f32 v19, v15  }
0xae: {  	v61 =	vmul.f32 v19, v18;
	v13 =	vadd.f32 v13, v14  }
0xaf: {  	vm15 =	vgt.s32 v12, $0xFFFFFFFF;
	v62 =	vadd.f32 v15, v16  }
0xb0: {  	v14 =	vadd.f32 v61, v17;
	v13 =	vsel vm15, v13, v53  }
0xb1: {  	v12 =	vsel vm15, v62, v54;
	[tilespmem:v9+s9+$0x0] =	vst.idx.msk $0xffff, v13  }
0xb2: {  	p0 =	sne.s32 s7, $0x1;
	v63 =	vsel vm15, v14, v55;
	[tilespmem:v10+s9+$0x0] =	vst.idx.msk $0xffff, v12  }
.Ltmp0:
0xb3: {  	[tilespmem:v11+s9+$0x0] =	vst.idx.msk $0xffff, v63;
	(pc) =	sbr.rel @p0 .LBB2_1-.Ltmp0, $4  }
0xb4: {  	[hbm4b:s6+s2] =	stream.linear.scatter [tilespmem:s9], [sflag:$0x4], $0x2000, $0x38;
	[tilespmem:$0x6000] =	vst v63  }
0xb5: {  	_ =	swait.ge [sflag:s13], $0x2000  }
0xb6: {  	[sflag:s13] =	ssyncset.done $0x0  }
0xb7: {  	s7 =	sadd.s32 $0xFFFFFFFF, s7;
	[sflag:s13] =	ssyncadd.s32 $0xFFFFE000  }
0xb8: {  	_ =	sfence.sel $0x180000  }
0xb9: {  	[bflag:$0x0] =	sbarrier.arrive $0xFFFF  }
0xba: {  	p0 =	sne.s32 s1, $0x0;
	_ =	strace $0x90000047  }
0xbb: {  	s0 =	sadd.s32 @!p0 $0x100000, s0;
	[bflag:$0x2] =	sbarrier.arrive $0xFFFF  }
0xbc: {  	[sflag:s0] =	ssyncadd.tile.s32 @!p0 $0x1;
	_ =	shalt  }
.Lfunc_end2:
_tile_overlayer_lowered:
.L_overlay_start_2:
0xbd: {  	(tag) =	ssettag $0x2  }
0xbe: {  	s0 =	rddreg [dreg:$0x0];
	s2 =	stileid.u32  }
0xbf: {  	s1 =	rddreg [dreg:$0x1];
	p0 =	sne.s32 s2, $0x0  }
0xc0: {  	s3 =	rddreg [dreg:$0x2];
	[bflag:$0x3] =	sbarrier.arrive $0xFFFF;
	s2 =	simm.s32 @!p0 $0x1C04  }
0xc1: {  	[timem:s3], [sflag:s2] =	dma.local @!p0 [hbm:s0], s1  }
0xc2: {  	s0 =	simm.s32 @!p0 $0x4  }
0xc3: {  	_ =	swait.ge @!p0 [sflag:s0], s1  }
0xc4: {  	s1 =	ssub.s32 @!p0 $0x0, s1;
	[sflag:s0] =	ssyncset.done @!p0 $0x0  }
0xc5: {  	[sflag:s0] =	ssyncadd.s32 @!p0 s1  }
0xc6: {  	[bflag:$0x3] =	sbarrier.arrive $0xFFFF  }
0xc7: {  	_ =	shalt  }

// kernel: _run.9.cloned.1.call-start
scs
__scs_entry_jumppad:
0x0: {  	(pc) =	sbr.rel $0x88, $3  }
0x1: {  	(tag) =	ssettag $0x0;
	lr =	simm.s32 $0x1  }
0x2: {  	[smem:$0x3F9E] =	sst lr;
	_ =	strace $0xD0000000  }
0x3: {  	_ = 	snop  }
0x4: {  	_ = 	snop  }
0x5: {  	_ = 	snop  }
0x6: {  	_ = 	snop  }
0x7: {  	_ = 	snop  }
__scs_overlays_trampoline_lowered:
0x8: {  	[smem:$0x3FAD] =	sst s0  }
0x9: {  	[smem:$0x3FAE] =	sst s1  }
0xa: {  	[smem:$0x3FAF] =	sst s2  }
0xb: {  	[smem:$0x3FB0] =	sst s3  }
0xc: {  	[smem:$0x3FB1] =	sst s4  }
0xd: {  	[smem:$0x3FB2] =	sst s5  }
0xe: {  	[smem:$0x3FB3] =	sst s6  }
0xf: {  	[smem:$0x3FB4] =	sst s7  }
0x10: {  	[smem:$0x3FB5] =	sst s8  }
0x11: {  	[smem:$0x3FB6] =	sst s9;
	s0 =	simm.s32 @!p0 $0x0  }
0x12: {  	s1 =	sld [smem:$0x3F9C];
	s0 =	simm.s32 @p0 $0x1  }
0x13: {  	[smem:$0x3FB7] =	sst s0;
	s0 =	simm.s32 @!p1 $0x0  }
0x14: {  	s2 =	sld [smem:$0x3F9B];
	s0 =	simm.s32 @p1 $0x1  }
0x15: {  	[smem:$0x3FB8] =	sst s0;
	s0 =	simm.s32 @!p2 $0x0  }
0x16: {  	s3 =	sld [smem:$0x3FDB];
	s0 =	simm.s32 @p2 $0x1  }
0x17: {  	s4 =	simm.s32 $0x1BF5;
	[smem:$0x3FBA] =	sst s0  }
0x18: {  	s0 =	sld [smem:$0x3F9D];
	_ =	swait.ge [sflag:s4], $0x0  }
0x19: {  	s7 =	sld [smem:$0x3F9E]  }
0x1a: {  	s8 =	sadd.s32 $0xFFFFE003, lr  }
0x1b: {  	s9 =	sadd.s32 $0xFFFFFEF7, lr;
	s5 =	simm.s32 $0xFFFFFFFF;
	p2 =	slt.u32 s8, $0xFFFFF086  }
0x1c: {  	p1 =	slt.u32 s9, $0xF7A;
	s5 =	simm.s32 @!p2 $0x0  }
0x1d: {  	s5 =	simm.s32 @p1 $0x1;
	p0 =	seq.s32 s7, s2  }
0x1e: {  	s7 =	smul.u32 @!p0 $0xF7A, s2;
	p2 =	seq.s32 @!p0 s5, $0x0  }
0x1f: {  	s9 =	smul.u32 $0xF7A, s1;
	s8 =	simm.s32 @!p0 $0x1BF5;
	p2 =	por !p2, p0  }
0x20: {  	[sflag:s8] =	ssyncset.s32 @!p0 $0xFFFFF086;
	s6 =	sadd.s32 @!p0 s3, s7;
	s7 =	simm.s32 @!p0 $0x108  }
0x21: {  	s3 =	sadd.s32 s3, s9;
	s6 =	sadd.s32 @!p0 $0x88, s6;
	s7 =	simm.s32 @p2 $0x1082  }
0x22: {  	[simem:s7], [sflag:s8] =	dma.local @!p0 [hbm:s6], $0xF7A  }
0x23: {  	s9 =	sor.u32 $0xD0000000, s2;
	s6 =	simm.s32 $0x108;
	_ =	swait.ge @!p0 [sflag:s8], $0x0  }
0x24: {  	s3 =	sadd.s32 $0x88, s3;
	s6 =	simm.s32 @!p1 $0x1082;
	[sflag:s4] =	ssyncset.s32 $0xFFFFF086  }
0x25: {  	[simem:s6], [sflag:s4] =	dma.local [hbm:s3], $0xF7A  }
0x26: {  	[smem:$0x3F9E] =	sst s1;
	(tag) =	ssettag s2;
	_ =	strace s9  }
0x27: {  	s1 =	sld [smem:$0x3FAE]  }
0x28: {  	s2 =	sld [smem:$0x3FAF]  }
0x29: {  	s4 =	sld [smem:$0x3FB1]  }
0x2a: {  	p0 =	seq.s32 s5, $0x0;
	s5 =	sld [smem:$0x3FB2]  }
0x2b: {  	s6 =	sld [smem:$0x3FB3]  }
0x2c: {  	s7 =	sld [smem:$0x3FB4]  }
0x2d: {  	s3 =	simm.s32 $0x108;
	s8 =	sld [smem:$0x3FB5]  }
0x2e: {  	s3 =	simm.s32 @!p0 $0x1082;
	s9 =	sld [smem:$0x3FB6]  }
0x2f: {  	lr =	sadd.s32 s0, s3;
	s0 =	sld [smem:$0x3FAD]  }
0x30: {  	s3 =	sld [smem:$0x3FB0]  }
0x31: {  	[smem:$0x3FB9] =	sst s10  }
0x32: {  	s10 =	sld [smem:$0x3FB7];
	_ =	sdelay $0x3  }
0x33: {  	p0 =	seq.s32 s10, $0x1;
	s10 =	sld [smem:$0x3FB9];
	_ =	sdelay $0x3  }
0x34: {  	[smem:$0x3FB9] =	sst s10  }
0x35: {  	s10 =	sld [smem:$0x3FB8];
	_ =	sdelay $0x3  }
0x36: {  	p1 =	seq.s32 s10, $0x1;
	s10 =	sld [smem:$0x3FB9];
	_ =	sdelay $0x3  }
0x37: {  	[smem:$0x3FB9] =	sst s10  }
0x38: {  	s10 =	sld [smem:$0x3FBA]  }
0x39: {  	_ = 	snop;
	(pc) =	sbr.ind lr, $3  }
0x3a: {  	_ = 	snop  }
0x3b: {  	_ = 	snop  }
0x3c: {  	p2 =	seq.s32 s10, $0x1;
	s10 =	sld [smem:$0x3FB9]  }
0x3d: {  	_ =	shalt  }
0x3e: {  	_ =	shalt  }
0x3f: {  	_ =	shalt  }
0x40: {  	_ =	shalt  }
0x41: {  	_ =	shalt  }
0x42: {  	_ =	shalt  }
0x43: {  	_ =	shalt  }
0x44: {  	_ =	shalt  }
0x45: {  	_ =	shalt  }
0x46: {  	_ =	shalt  }
0x47: {  	_ =	shalt  }
0x48: {  	_ =	shalt  }
0x49: {  	_ =	shalt  }
0x4a: {  	_ =	shalt  }
0x4b: {  	_ =	shalt  }
0x4c: {  	_ =	shalt  }
0x4d: {  	_ =	shalt  }
0x4e: {  	_ =	shalt  }
0x4f: {  	_ =	shalt  }
0x50: {  	_ =	shalt  }
0x51: {  	_ =	shalt  }
0x52: {  	_ =	shalt  }
0x53: {  	_ =	shalt  }
0x54: {  	_ =	shalt  }
0x55: {  	_ =	shalt  }
0x56: {  	_ =	shalt  }
0x57: {  	_ =	shalt  }
0x58: {  	_ =	shalt  }
0x59: {  	_ =	shalt  }
0x5a: {  	_ =	shalt  }
0x5b: {  	_ =	shalt  }
0x5c: {  	_ =	shalt  }
0x5d: {  	_ =	shalt  }
0x5e: {  	_ =	shalt  }
0x5f: {  	_ =	shalt  }
0x60: {  	_ =	shalt  }
0x61: {  	_ =	shalt  }
0x62: {  	_ =	shalt  }
0x63: {  	_ =	shalt  }
0x64: {  	_ =	shalt  }
0x65: {  	_ =	shalt  }
0x66: {  	_ =	shalt  }
0x67: {  	_ =	shalt  }
0x68: {  	_ =	shalt  }
0x69: {  	_ =	shalt  }
0x6a: {  	_ =	shalt  }
0x6b: {  	_ =	shalt  }
0x6c: {  	_ =	shalt  }
0x6d: {  	_ =	shalt  }
0x6e: {  	_ =	shalt  }
0x6f: {  	_ =	shalt  }
0x70: {  	_ =	shalt  }
0x71: {  	_ =	shalt  }
0x72: {  	_ =	shalt  }
0x73: {  	_ =	shalt  }
0x74: {  	_ =	shalt  }
0x75: {  	_ =	shalt  }
0x76: {  	_ =	shalt  }
0x77: {  	_ =	shalt  }
0x78: {  	_ =	shalt  }
0x79: {  	_ =	shalt  }
0x7a: {  	_ =	shalt  }
0x7b: {  	_ =	shalt  }
0x7c: {  	_ =	shalt  }
0x7d: {  	_ =	shalt  }
0x7e: {  	_ =	shalt  }
0x7f: {  	_ =	shalt  }
0x80: {  	_ =	shalt  }
0x81: {  	_ =	shalt  }
0x82: {  	_ =	shalt  }
0x83: {  	_ =	shalt  }
0x84: {  	_ =	shalt  }
0x85: {  	_ =	shalt  }
0x86: {  	_ =	shalt  }
0x87: {  	_ =	shalt  }
.Lfunc_end0:
.L_simem_size_0:
called_computation.1_lowered:
.L_overlay_start_0:
0x88: {  	s2 =	sld [smem:$0x3FD9]  }
0x89: {  	s3 =	sld [smem:$0x3FFE];
	_ =	sdelay $0x1  }
0x8a: {  	s1 =	srdreg.scid  }
0x8b: {  	s0 =	sand.u32 $0x1, s1  }
0x8c: {  	s17 =	sshll.u32 s0, $0xA;
	s2 =	sadd.s32 s3, s2  }
0x8d: {  	s2 =	sadd.s32 s2, s17  }
0x8e: {  	[smem:$0x3FC5] =	sst s2  }
0x8f: {  	_ = 	snop  }
0x90: {  	(tm) =	ssettm $0x1  }
0x91: {  	s18 =	sld [smem:$0x3FFB];
	_ =	sdelay $0x3  }
0x92: {  	_ =	strace s18  }
0x93: {  	s2 =	sld [smem:$0x3FFC];
	_ =	sdelay $0x3  }
0x94: {  	_ =	strace s2  }
0x95: {  	s2 =	sld [smem:$0x3FFD];
	_ =	sdelay $0x3  }
0x96: {  	_ =	strace s2  }
0x97: {  	_ =	strace $0x8FFFFFFF  }
0x98: {  	s19 =	sld [smem:$0x3FDB];
	_ =	sdelay $0x1  }
0x99: {  	s20 =	simm.s32 $_scs_section_size  }
0x9a: {  	s4 =	simm.s32 $_size__tile_overlayer_lowered;
	s5 =	simm.s32 $_tile_overlayer_lowered  }
0x9b: {  	s6 =	simm.s32 $0x1BFF;
	s21 =	sshll.u32 s5, $0x1;
	s3 =	sadd.s32 s20, s19  }
0x9c: {  	s22 =	simm.s32 $0x0;
	s4 =	sshll.u32 s4, $0x1;
	s5 =	sadd.s32 s21, s3  }
0x9d: {  	[timem:s22], [sflag:s6] =	dma.local [hbm:s5], s4  }
0x9e: {  	_ =	swait.ge [sflag:s6], s4  }
0x9f: {  	s4 =	ssub.s32 $0x0, s4;
	[sflag:s6] =	ssyncset.done $0x0  }
0xa0: {  	[sflag:s6] =	ssyncadd.s32 s4;
	_ =	sdelay $0x1  }
0xa1: {  	s23 =	simm.s32 $0x1B8B  }
0xa2: {  	_ =	swait.ge [sflag:s23], $0x1  }
0xa3: {  	[sflag:s23] =	ssyncset.done $0x0  }
0xa4: {  	[sflag:s23] =	ssyncadd.s32 $0xFFFFFFFF  }
0xa5: {  	s4 =	sld [smem:$0x0]  }
0xa6: {  	s5 =	sand.u32 $0xFFFFFFFE, s1  }
0xa7: {  	p0 =	sne.s32 s1, s5  }
0xa8: {  	s5 =	sshll.u32 @p0 s5, $0xE  }
0xa9: {  	s5 =	sadd.s32 @p0 $0x11B8D, s5;
	s6 =	sshll.u32 @p0 s4, $0x11  }
0xaa: {  	s5 =	sor.u32 @p0 s6, s5  }
0xab: {  	[sflag:s5] =	ssyncadd.remote.s32 @p0 $0x1;
	_ =	sdelay $0x1  }
0xac: {  	s5 =	simm.s32 @p0 $0x1B8D  }
0xad: {  	_ =	swait.eq @p0 [sflag:s5], $0x1  }
0xae: {  	[sflag:s5] =	ssyncadd.s32 @p0 $0xFFFFFFFF  }
0xaf: {  	s6 =	sshll.u32 @!p0 s1, $0xE  }
0xb0: {  	s6 =	sor.u32 @!p0 $0x4000, s6;
	s5 =	simm.s32 @!p0 $0x1B8D  }
0xb1: {  	s4 =	sshll.u32 @!p0 s4, $0x11;
	s6 =	sadd.s32 @!p0 $0x11B8D, s6;
	_ =	swait.eq @!p0 [sflag:s5], $0x1  }
0xb2: {  	s4 =	sor.u32 @!p0 s4, s6;
	[sflag:s5] =	ssyncadd.s32 @!p0 $0xFFFFFFFF  }
0xb3: {  	s25 =	simm.s32 $0x1B8E;
	s24 =	sld [smem:$0x3FFE];
	[sflag:s4] =	ssyncadd.remote.s32 @!p0 $0x1  }
0xb4: {  	s26 =	simm.s32 $execute0_lowered;
	[smem:$0x3FD2] =	sst s25  }
0xb5: {  	s5 =	sshll.u32 s26, $0x1;
	_ =	strace $0x80000049;
	[dreg:$0x1] =	wrdreg $0xFFFFFFFF  }
0xb6: {  	s28 =	simm.s32 $_size_execute0_lowered;
	s3 =	sadd.s32 s3, s5;
	[dreg:$0x0] =	wrdreg $0x0  }
0xb7: {  	s5 =	sshll.u32 s28, $0x1;
	[dreg:$0x2] =	wrdreg s3  }
0xb8: {  	[dreg:$0x3] =	wrdreg s5  }
0xb9: {  	[dreg:$0x4] =	wrdreg $0xC0  }
0xba: {  	_ =	task [dreg:s22], $0x5FFFF  }
0xbb: {  	[dreg:$0x1] =	wrdreg $0xFFFFFFFF  }
0xbc: {  	[dreg:$0x0] =	wrdreg $0x60  }
0xbd: {  	[dreg:$0x2] =	wrdreg s24  }
0xbe: {  	[dreg:$0x3] =	wrdreg $0xA  }
0xbf: {  	_ =	task.clear_ibuf [dreg:s22], $0x4FFFF;
	_ =	strace $0x90000049  }
0xc0: {  	s29 =	simm.s32 $0xA;
	_ =	strace $0x8000004B  }
0xc1: {  	_ =	swait.ge [sflag:s29], $0x1  }
0xc2: {  	[sflag:s29] =	ssyncadd.s32 $0xFFFFFFFF  }
0xc3: {  	_ =	strace $0x9000004B  }
0xc4: {  	_ =	sfence  }
0xc5: {  	s30 =	sld [smem:$0x0];
	_ =	sdelay $0x2  }
0xc6: {  	s31 =	sshll.u32 s1, $0xD;
	s1 =	sshrl.u32 s1, $0x2  }
0xc7: {  	s4 =	sand.u32 $0x4000, s31;
	s1 =	sadd.s32 s1, s30  }
0xc8: {  	s0 =	sor.u32 s4, s0;
	s1 =	sshll.u32 s1, $0x11  }
0xc9: {  	s0 =	sor.u32 s1, s0  }
0xca: {  	s0 =	sadd.s32 $0x8F2B, s0  }
0xcb: {  	[sflag:s0] =	ssyncadd.remote.s32 $0x1  }
0xcc: {  	_ =	sfence.sel $0xFFFF  }
0xcd: {  	[dreg:$0x0] =	wrdreg $0xFFFFFFFF;
	(pc) =	sbr.abs _section_cstart, $3  }
0xce: {  	[dreg:$0x1] =	wrdreg $0xFFFFFFFF  }
0xcf: {  	_ =	task.clear_ibuf [dreg:s22], $0x2FFFF;
	_ =	strace $0x9FFFFFFF  }
0xd0: {  	(tm) =	ssettm $0x7FFFFFFF  }
0xd1: {  	_ =	shalt  }
tec
execute0_lowered:
.L_overlay_start_1:
0x0: {  	(tag) =	ssettag $0x1  }
0x1: {  	s3 =	rddreg [dreg:$0x0];
	s2 =	srdreg.scid  }
0x2: {  	s0 =	rddreg [dreg:$0x1];
	s1 =	stileid.u32;
	s8 =	simm.s32 $0x2000  }
0x3: {  	v0 =	vlaneseq.u32;
	s9 =	simm.s32 $0x4000;
	s10 =	simm.s32 $0x1;
	s11 =	simm.s32 $0x2  }
0x4: {  	s12 =	simm.s32 $0x3;
	s13 =	simm.s32 $0x4;
	s4 =	sand.u32 $0x1, s2;
	v0 =	vmul.u32 $0x80, v0  }
0x5: {  	s2 =	simm.s32 $0x0;
	s5 =	sshll.u32 s1, $0xB;
	s6 =	sshll.u32 s4, $0xA  }
0x6: {  	[smem:$0x7FF] =	sst s2;
	s4 =	ssub.s32 $0x2, s4;
	s5 =	sor.u32 s6, s5;
	v1 =	vor.u32 $0x1, v0;
	v2 =	vor.u32 $0x2, v0  }
0x7: {  	_ =	strace $0x8000004A;
	s31 =	sshrl.u32 s4, $0x1;
	v3 =	vor.u32 $0x800, v0;
	v4 =	vor.u32 $0x801, v0;
	v5 =	vor.u32 $0x802, v0;
	s6 =	sadd.s32 s5, s3  }
0x8: {  	v6 =	vor.u32 $0x1000, v0;
	v7 =	vor.u32 $0x1001, v0;
	v8 =	vor.u32 $0x1002, v0;
	s7 =	ssub.s32 s4, s31;
	s3 =	sadd.s32 $0x19800, s6;
	s4 =	sadd.s32 $0x31800, s6  }
0x9: {  	v9 =	vor.u32 $0x1800, v0;
	v10 =	vor.u32 $0x1801, v0;
	v11 =	vor.u32 $0x1802, v0;
	s5 =	sadd.s32 $0x9800, s6;
	s6 =	sadd.s32 $0x39800, s6;
	s7 =	smax.u32 s7, $0x1  }
.LBB2_1:
0xa: {  	[tilespmem:s2], [sflag:$0x1] =	stream.linear.gather [hbm4b:s3+s2], $0x2000, $0x38;
	[tilespmem:$0x6000] =	vst v63  }
0xb: {  	_ = 	snop  }
0xc: {  	[tilespmem:s8], [sflag:$0x2] =	stream.linear.gather [hbm4b:s4+s2], $0x2000, $0x38;
	[tilespmem:$0x6000] =	vst v63  }
0xd: {  	_ = 	snop  }
0xe: {  	[tilespmem:s9], [sflag:$0x3] =	stream.linear.gather [hbm4b:s5+s2], $0x2000, $0x38;
	[tilespmem:$0x6000] =	vst v63  }
0xf: {  	_ =	swait.ge [sflag:s10], $0x2000  }
0x10: {  	[sflag:s10] =	ssyncset.done $0x0  }
0x11: {  	[sflag:s10] =	ssyncadd.s32 $0xFFFFE000  }
0x12: {  	_ =	swait.ge [sflag:s11], $0x2000  }
0x13: {  	[sflag:s11] =	ssyncset.done $0x0  }
0x14: {  	[sflag:s11] =	ssyncadd.s32 $0xFFFFE000  }
0x15: {  	_ =	swait.ge [sflag:s12], $0x2000  }
0x16: {  	[sflag:s12] =	ssyncset.done $0x0  }
0x17: {  	[sflag:s12] =	ssyncadd.s32 $0xFFFFE000  }
0x18: {  	v12 =	vld.idx.msk [tilespmem:v0+s8+$0x0], $0xffff;
	_ =	sdelay $0x4  }
0x19: {  	vm0 =	vgt.s32 v12, $0x0  }
0x1a: {  	v13 =	vnsel vm0, $0x0, v12  }
0x1b: {  	v14 =	vshll.u32 v13, $0x2  }
0x1c: {  	v15 =	vand.u32 $0x7F, v13;
	v13 =	vadd.s32 $0x1, v13;
	v14 =	vand.u32 $0xFFFFFE00, v14  }
0x1d: {  	v37 =	vshll.u32 v13, $0x2;
	v14 =	vor.u32 v15, v14  }
0x1e: {  	v13 =	vand.u32 $0x7F, v13;
	v15 =	vand.u32 $0xFFFFFE00, v37;
	v16 =	vor.u32 $0x80, v14  }
0x1f: {  	v13 =	vor.u32 v13, v15  }
0x20: {  	v15 =	vor.u32 $0x80, v13  }
0x21: {  	v17 =	vor.u32 $0x100, v14  }
0x22: {  	v18 =	vor.u32 $0x100, v13;
	v14 =	vld.idx.msk [tilespmem:v14+s2+$0x0], $0xffff  }
0x23: {  	v16 =	vld.idx.msk [tilespmem:v16+s2+$0x0], $0xffff  }
0x24: {  	v13 =	vld.idx.msk [tilespmem:v13+s2+$0x0], $0xffff  }
0x25: {  	v15 =	vld.idx.msk [tilespmem:v15+s2+$0x0], $0xffff  }
0x26: {  	v17 =	vld.idx.msk [tilespmem:v17+s2+$0x0], $0xffff  }
0x27: {  	v18 =	vld.idx.msk [tilespmem:v18+s2+$0x0], $0xffff;
	_ =	sdelay $0x2  }
0x28: {  	v13 =	vsub.f32 v13, v14;
	v15 =	vsub.f32 v15, v16;
	_ =	sdelay $0x1  }
0x29: {  	v18 =	vsub.f32 v18, v17;
	v19 =	vmul.f32 v13, v13;
	v20 =	vmul.f32 v15, v15;
	_ =	sdelay $0x1  }
0x2a: {  	v38 =	vmul.f32 v18, v18;
	v19 =	vadd.f32 v20, v19  }
0x2b: {  	v21 =	vld.idx.msk [tilespmem:v0+s9+$0x0], $0xffff  }
0x2c: {  	v22 =	vld.idx.msk [tilespmem:v1+s9+$0x0], $0xffff;
	v19 =	vadd.f32 v38, v19;
	_ =	sdelay $0x1  }
0x2d: {  	v39 =	vld.idx.msk [tilespmem:v2+s9+$0x0], $0xffff;
	v19 =	vmax.f32 v19, $9.999999960e-13  }
0x2e: {  	(erf) = vrcp.f32 v19;
	_ =	sdelay $0x1  }
0x2f: {  	v40 =	vsub.f32 v21, v14;
	v23 =	vsub.f32 v22, v16;
	_ =	sdelay $0x1  }
0x30: {  	v24 =	vsub.f32 v39, v17;
	v23 =	vmul.f32 v23, v15;
	v19 =	vmul.f32 v40, v13;
	_ =	sdelay $0x1  }
0x31: {  	v41 =	vmul.f32 v24, v18;
	v19 =	vadd.f32 v23, v19;
	_ =	sdelay $0x1  }
0x32: {  	v19 =	vadd.f32 v41, v19  }
0x33: {  	v42 =	vpop (erf)  }
0x34: {  	v19 =	vmul.f32 v19, v42;
	_ =	sdelay $0x1  }
0x35: {  	v19 =	vmax.f32 v19, $0.0e+00  }
0x36: {  	v19 =	vmin.f32 v19, $1.000000000e+00  }
0x37: {  	v13 =	vmul.f32 v19, v13  }
0x38: {  	v15 =	vmul.f32 v19, v15  }
0x39: {  	v43 =	vmul.f32 v19, v18;
	v13 =	vadd.f32 v13, v14  }
0x3a: {  	vm9 =	vgt.s32 v12, $0xFFFFFFFF;
	v44 =	vadd.f32 v15, v16  }
0x3b: {  	v14 =	vadd.f32 v43, v17;
	v13 =	vsel vm9, v13, v21  }
0x3c: {  	v12 =	vsel vm9, v44, v22;
	[tilespmem:v0+s9+$0x0] =	vst.idx.msk $0xffff, v13  }
0x3d: {  	v45 =	vsel vm9, v14, v39;
	[tilespmem:v1+s9+$0x0] =	vst.idx.msk $0xffff, v12  }
0x3e: {  	[tilespmem:v2+s9+$0x0] =	vst.idx.msk $0xffff, v45  }
0x3f: {  	v12 =	vld.idx.msk [tilespmem:v3+s8+$0x0], $0xffff;
	_ =	sdelay $0x4  }
0x40: {  	vm10 =	vgt.s32 v12, $0x0  }
0x41: {  	v46 =	vnsel vm10, $0x0, v12  }
0x42: {  	v47 =	vshll.u32 v46, $0x2  }
0x43: {  	v48 =	vand.u32 $0x7F, v46;
	v13 =	vadd.s32 $0x1, v46;
	v14 =	vand.u32 $0xFFFFFE00, v47  }
0x44: {  	v49 =	vshll.u32 v13, $0x2;
	v14 =	vor.u32 v48, v14  }
0x45: {  	v13 =	vand.u32 $0x7F, v13;
	v15 =	vand.u32 $0xFFFFFE00, v49;
	v50 =	vor.u32 $0x80, v14  }
0x46: {  	v13 =	vor.u32 v13, v15  }
0x47: {  	v15 =	vor.u32 $0x80, v13  }
0x48: {  	v51 =	vor.u32 $0x100, v14  }
0x49: {  	v52 =	vor.u32 $0x100, v13;
	v14 =	vld.idx.msk [tilespmem:v14+s2+$0x0], $0xffff  }
0x4a: {  	v16 =	vld.idx.msk [tilespmem:v50+s2+$0x0], $0xffff  }
0x4b: {  	v13 =	vld.idx.msk [tilespmem:v13+s2+$0x0], $0xffff  }
0x4c: {  	v15 =	vld.idx.msk [tilespmem:v15+s2+$0x0], $0xffff  }
0x4d: {  	v17 =	vld.idx.msk [tilespmem:v51+s2+$0x0], $0xffff  }
0x4e: {  	v18 =	vld.idx.msk [tilespmem:v52+s2+$0x0], $0xffff;
	_ =	sdelay $0x2  }
0x4f: {  	v13 =	vsub.f32 v13, v14;
	v15 =	vsub.f32 v15, v16;
	_ =	sdelay $0x1  }
0x50: {  	v18 =	vsub.f32 v18, v17;
	v53 =	vmul.f32 v13, v13;
	v54 =	vmul.f32 v15, v15;
	_ =	sdelay $0x1  }
0x51: {  	v55 =	vmul.f32 v18, v18;
	v19 =	vadd.f32 v54, v53  }
0x52: {  	v56 =	vld.idx.msk [tilespmem:v3+s9+$0x0], $0xffff  }
0x53: {  	v57 =	vld.idx.msk [tilespmem:v4+s9+$0x0], $0xffff;
	v19 =	vadd.f32 v55, v19;
	_ =	sdelay $0x1  }
0x54: {  	v58 =	vld.idx.msk [tilespmem:v5+s9+$0x0], $0xffff;
	v19 =	vmax.f32 v19, $9.999999960e-13  }
0x55: {  	(erf) = vrcp.f32 v19;
	_ =	sdelay $0x1  }
0x56: {  	v59 =	vsub.f32 v56, v14;
	v60 =	vsub.f32 v57, v16;
	_ =	sdelay $0x1  }
0x57: {  	v61 =	vsub.f32 v58, v17;
	v23 =	vmul.f32 v60, v15;
	v19 =	vmul.f32 v59, v13;
	_ =	sdelay $0x1  }
0x58: {  	v62 =	vmul.f32 v61, v18;
	v19 =	vadd.f32 v23, v19;
	_ =	sdelay $0x1  }
0x59: {  	v19 =	vadd.f32 v62, v19  }
0x5a: {  	v63 =	vpop (erf)  }
0x5b: {  	v19 =	vmul.f32 v19, v63;
	_ =	sdelay $0x1  }
0x5c: {  	v19 =	vmax.f32 v19, $0.0e+00  }
0x5d: {  	v19 =	vmin.f32 v19, $1.000000000e+00  }
0x5e: {  	v13 =	vmul.f32 v19, v13  }
0x5f: {  	v15 =	vmul.f32 v19, v15  }
0x60: {  	v18 =	vmul.f32 v19, v18;
	v13 =	vadd.f32 v13, v14  }
0x61: {  	vm11 =	vgt.s32 v12, $0xFFFFFFFF;
	v19 =	vadd.f32 v15, v16  }
0x62: {  	v14 =	vadd.f32 v18, v17;
	v13 =	vsel vm11, v13, v56  }
0x63: {  	v12 =	vsel vm11, v19, v57;
	[tilespmem:v3+s9+$0x0] =	vst.idx.msk $0xffff, v13  }
0x64: {  	v21 =	vsel vm11, v14, v58;
	[tilespmem:v4+s9+$0x0] =	vst.idx.msk $0xffff, v12  }
0x65: {  	[tilespmem:v5+s9+$0x0] =	vst.idx.msk $0xffff, v21  }
0x66: {  	v12 =	vld.idx.msk [tilespmem:v6+s8+$0x0], $0xffff;
	_ =	sdelay $0x4  }
0x67: {  	vm12 =	vgt.s32 v12, $0x0  }
0x68: {  	v22 =	vnsel vm12, $0x0, v12  }
0x69: {  	v23 =	vshll.u32 v22, $0x2  }
0x6a: {  	v24 =	vand.u32 $0x7F, v22;
	v13 =	vadd.s32 $0x1, v22;
	v14 =	vand.u32 $0xFFFFFE00, v23  }
0x6b: {  	v25 =	vshll.u32 v13, $0x2;
	v14 =	vor.u32 v24, v14  }
0x6c: {  	v13 =	vand.u32 $0x7F, v13;
	v15 =	vand.u32 $0xFFFFFE00, v25;
	v26 =	vor.u32 $0x80, v14  }
0x6d: {  	v13 =	vor.u32 v13, v15  }
0x6e: {  	v15 =	vor.u32 $0x80, v13  }
0x6f: {  	v27 =	vor.u32 $0x100, v14  }
0x70: {  	v28 =	vor.u32 $0x100, v13;
	v14 =	vld.idx.msk [tilespmem:v14+s2+$0x0], $0xffff  }
0x71: {  	v16 =	vld.idx.msk [tilespmem:v26+s2+$0x0], $0xffff  }
0x72: {  	v13 =	vld.idx.msk [tilespmem:v13+s2+$0x0], $0xffff  }
0x73: {  	v15 =	vld.idx.msk [tilespmem:v15+s2+$0x0], $0xffff  }
0x74: {  	v17 =	vld.idx.msk [tilespmem:v27+s2+$0x0], $0xffff  }
0x75: {  	v18 =	vld.idx.msk [tilespmem:v28+s2+$0x0], $0xffff;
	_ =	sdelay $0x2  }
0x76: {  	v13 =	vsub.f32 v13, v14;
	v15 =	vsub.f32 v15, v16;
	_ =	sdelay $0x1  }
0x77: {  	v18 =	vsub.f32 v18, v17;
	v29 =	vmul.f32 v13, v13;
	v30 =	vmul.f32 v15, v15;
	_ =	sdelay $0x1  }
0x78: {  	v31 =	vmul.f32 v18, v18;
	v19 =	vadd.f32 v30, v29  }
0x79: {  	v32 =	vld.idx.msk [tilespmem:v6+s9+$0x0], $0xffff  }
0x7a: {  	v33 =	vld.idx.msk [tilespmem:v7+s9+$0x0], $0xffff;
	v19 =	vadd.f32 v31, v19;
	_ =	sdelay $0x1  }
0x7b: {  	v34 =	vld.idx.msk [tilespmem:v8+s9+$0x0], $0xffff;
	v19 =	vmax.f32 v19, $9.999999960e-13  }
0x7c: {  	(erf) = vrcp.f32 v19;
	_ =	sdelay $0x1  }
0x7d: {  	v35 =	vsub.f32 v32, v14;
	v36 =	vsub.f32 v33, v16;
	_ =	sdelay $0x1  }
0x7e: {  	v37 =	vsub.f32 v34, v17;
	v23 =	vmul.f32 v36, v15;
	v19 =	vmul.f32 v35, v13;
	_ =	sdelay $0x1  }
0x7f: {  	v38 =	vmul.f32 v37, v18;
	v19 =	vadd.f32 v23, v19;
	_ =	sdelay $0x1  }
0x80: {  	v19 =	vadd.f32 v38, v19  }
0x81: {  	v39 =	vpop (erf)  }
0x82: {  	v19 =	vmul.f32 v19, v39;
	_ =	sdelay $0x1  }
0x83: {  	v19 =	vmax.f32 v19, $0.0e+00  }
0x84: {  	v19 =	vmin.f32 v19, $1.000000000e+00  }
0x85: {  	v13 =	vmul.f32 v19, v13  }
0x86: {  	v15 =	vmul.f32 v19, v15  }
0x87: {  	v40 =	vmul.f32 v19, v18;
	v13 =	vadd.f32 v13, v14  }
0x88: {  	vm13 =	vgt.s32 v12, $0xFFFFFFFF;
	v41 =	vadd.f32 v15, v16  }
0x89: {  	v14 =	vadd.f32 v40, v17;
	v13 =	vsel vm13, v13, v32  }
0x8a: {  	v12 =	vsel vm13, v41, v33;
	[tilespmem:v6+s9+$0x0] =	vst.idx.msk $0xffff, v13  }
0x8b: {  	v42 =	vsel vm13, v14, v34;
	[tilespmem:v7+s9+$0x0] =	vst.idx.msk $0xffff, v12  }
0x8c: {  	[tilespmem:v8+s9+$0x0] =	vst.idx.msk $0xffff, v42  }
0x8d: {  	v12 =	vld.idx.msk [tilespmem:v9+s8+$0x0], $0xffff;
	_ =	sdelay $0x4  }
0x8e: {  	vm14 =	vgt.s32 v12, $0x0  }
0x8f: {  	v43 =	vnsel vm14, $0x0, v12  }
0x90: {  	v44 =	vshll.u32 v43, $0x2  }
0x91: {  	v45 =	vand.u32 $0x7F, v43;
	v13 =	vadd.s32 $0x1, v43;
	v14 =	vand.u32 $0xFFFFFE00, v44  }
0x92: {  	v46 =	vshll.u32 v13, $0x2;
	v14 =	vor.u32 v45, v14  }
0x93: {  	v13 =	vand.u32 $0x7F, v13;
	v15 =	vand.u32 $0xFFFFFE00, v46;
	v47 =	vor.u32 $0x80, v14  }
0x94: {  	v13 =	vor.u32 v13, v15  }
0x95: {  	v15 =	vor.u32 $0x80, v13  }
0x96: {  	v48 =	vor.u32 $0x100, v14  }
0x97: {  	v49 =	vor.u32 $0x100, v13;
	v14 =	vld.idx.msk [tilespmem:v14+s2+$0x0], $0xffff  }
0x98: {  	v16 =	vld.idx.msk [tilespmem:v47+s2+$0x0], $0xffff  }
0x99: {  	v13 =	vld.idx.msk [tilespmem:v13+s2+$0x0], $0xffff  }
0x9a: {  	v15 =	vld.idx.msk [tilespmem:v15+s2+$0x0], $0xffff  }
0x9b: {  	v17 =	vld.idx.msk [tilespmem:v48+s2+$0x0], $0xffff  }
0x9c: {  	v18 =	vld.idx.msk [tilespmem:v49+s2+$0x0], $0xffff;
	_ =	sdelay $0x2  }
0x9d: {  	v13 =	vsub.f32 v13, v14;
	v15 =	vsub.f32 v15, v16;
	_ =	sdelay $0x1  }
0x9e: {  	v18 =	vsub.f32 v18, v17;
	v50 =	vmul.f32 v13, v13;
	v51 =	vmul.f32 v15, v15;
	_ =	sdelay $0x1  }
0x9f: {  	v52 =	vmul.f32 v18, v18;
	v19 =	vadd.f32 v51, v50  }
0xa0: {  	v53 =	vld.idx.msk [tilespmem:v9+s9+$0x0], $0xffff  }
0xa1: {  	v54 =	vld.idx.msk [tilespmem:v10+s9+$0x0], $0xffff;
	v19 =	vadd.f32 v52, v19;
	_ =	sdelay $0x1  }
0xa2: {  	v55 =	vld.idx.msk [tilespmem:v11+s9+$0x0], $0xffff;
	v19 =	vmax.f32 v19, $9.999999960e-13  }
0xa3: {  	(erf) = vrcp.f32 v19;
	_ =	sdelay $0x1  }
0xa4: {  	v56 =	vsub.f32 v53, v14;
	v57 =	vsub.f32 v54, v16;
	_ =	sdelay $0x1  }
0xa5: {  	v58 =	vsub.f32 v55, v17;
	v23 =	vmul.f32 v57, v15;
	v19 =	vmul.f32 v56, v13;
	_ =	sdelay $0x1  }
0xa6: {  	v59 =	vmul.f32 v58, v18;
	v19 =	vadd.f32 v23, v19;
	_ =	sdelay $0x1  }
0xa7: {  	v19 =	vadd.f32 v59, v19  }
0xa8: {  	v60 =	vpop (erf)  }
0xa9: {  	v19 =	vmul.f32 v19, v60;
	_ =	sdelay $0x1  }
0xaa: {  	v19 =	vmax.f32 v19, $0.0e+00  }
0xab: {  	v19 =	vmin.f32 v19, $1.000000000e+00  }
0xac: {  	v13 =	vmul.f32 v19, v13  }
0xad: {  	v15 =	vmul.f32 v19, v15  }
0xae: {  	v61 =	vmul.f32 v19, v18;
	v13 =	vadd.f32 v13, v14  }
0xaf: {  	vm15 =	vgt.s32 v12, $0xFFFFFFFF;
	v62 =	vadd.f32 v15, v16  }
0xb0: {  	v14 =	vadd.f32 v61, v17;
	v13 =	vsel vm15, v13, v53  }
0xb1: {  	v12 =	vsel vm15, v62, v54;
	[tilespmem:v9+s9+$0x0] =	vst.idx.msk $0xffff, v13  }
0xb2: {  	p0 =	sne.s32 s7, $0x1;
	v63 =	vsel vm15, v14, v55;
	[tilespmem:v10+s9+$0x0] =	vst.idx.msk $0xffff, v12  }
.Ltmp0:
0xb3: {  	[tilespmem:v11+s9+$0x0] =	vst.idx.msk $0xffff, v63;
	(pc) =	sbr.rel @p0 .LBB2_1-.Ltmp0, $4  }
0xb4: {  	[hbm4b:s6+s2] =	stream.linear.scatter [tilespmem:s9], [sflag:$0x4], $0x2000, $0x38;
	[tilespmem:$0x6000] =	vst v63  }
0xb5: {  	_ =	swait.ge [sflag:s13], $0x2000  }
0xb6: {  	[sflag:s13] =	ssyncset.done $0x0  }
0xb7: {  	s7 =	sadd.s32 $0xFFFFFFFF, s7;
	[sflag:s13] =	ssyncadd.s32 $0xFFFFE000  }
0xb8: {  	_ =	sfence.sel $0x180000  }
0xb9: {  	[bflag:$0x0] =	sbarrier.arrive $0xFFFF  }
0xba: {  	p0 =	sne.s32 s1, $0x0;
	_ =	strace $0x9000004A  }
0xbb: {  	s0 =	sadd.s32 @!p0 $0x100000, s0;
	[bflag:$0x2] =	sbarrier.arrive $0xFFFF  }
0xbc: {  	[sflag:s0] =	ssyncadd.tile.s32 @!p0 $0x1;
	_ =	shalt  }
.Lfunc_end2:
_tile_overlayer_lowered:
.L_overlay_start_2:
0xbd: {  	(tag) =	ssettag $0x2  }
0xbe: {  	s0 =	rddreg [dreg:$0x0];
	s2 =	stileid.u32  }
0xbf: {  	s1 =	rddreg [dreg:$0x1];
	p0 =	sne.s32 s2, $0x0  }
0xc0: {  	s3 =	rddreg [dreg:$0x2];
	[bflag:$0x3] =	sbarrier.arrive $0xFFFF;
	s2 =	simm.s32 @!p0 $0x1C04  }
0xc1: {  	[timem:s3], [sflag:s2] =	dma.local @!p0 [hbm:s0], s1  }
0xc2: {  	s0 =	simm.s32 @!p0 $0x4  }
0xc3: {  	_ =	swait.ge @!p0 [sflag:s0], s1  }
0xc4: {  	s1 =	ssub.s32 @!p0 $0x0, s1;
	[sflag:s0] =	ssyncset.done @!p0 $0x0  }
0xc5: {  	[sflag:s0] =	ssyncadd.s32 @!p0 s1  }
0xc6: {  	[bflag:$0x3] =	sbarrier.arrive $0xFFFF  }
0xc7: {  	_ =	shalt  }

</sc_bundles>
